<compile_context>
chip_gen: v7x
topology: tpu7x:2x2x1
jax: 0.10.2.dev20260603
libtpu: 0.0.44.dev20260713+nightly
codegen_flags: <defaults>
</compile_context>

<pallas_src>
import jax
import jax.numpy as jnp
from jax import lax
from jax.experimental import pallas as pl
from jax.experimental.pallas import tpu as pltpu
from jax.experimental.pallas import tpu_sc as plsc

N = 10000
E = 320000
H = 128

NC = 2
NS = 16
NW = NC * NS
LANES = 128
TOT_CHUNKS = 2560
C = 80
E_PAD = TOT_CHUNKS * LANES
ROWS_PER_TILE = 632
N_PAD = NS * ROWS_PER_TILE



def _zero_stripe(zsrc_v, dst_sh, base):
    for k0 in range(ROWS_PER_TILE // LANES):
        pltpu.sync_copy(zsrc_v, dst_sh.at[pl.ds(base + k0 * LANES, LANES)])
    tail = ROWS_PER_TILE % LANES
    pltpu.sync_copy(zsrc_v.at[pl.ds(0, tail)],
                    dst_sh.at[pl.ds(base + (ROWS_PER_TILE // LANES) * LANES, tail)])


def _make_spmm(with_deg):
    mesh = plsc.VectorSubcoreMesh(core_axis_name="c", subcore_axis_name="s")
    out_type = [jax.ShapeDtypeStruct((NC, N_PAD, H), jnp.float32)]
    if with_deg:
        out_type.append(jax.ShapeDtypeStruct((NC, N_PAD, H), jnp.float32))
    scratch = [
        pltpu.VMEM((C, LANES), jnp.int32),
        pltpu.VMEM((C, LANES), jnp.int32),
        pltpu.VMEM((LANES, H), jnp.float32),
        pltpu.VMEM_SHARED((N_PAD, H), jnp.float32),
    ]

    def body(*refs):
        if with_deg:
            (x_hbm, srcs_hbm, dsts_hbm, zrow_hbm, ones_hbm,
             out_hbm, deg_hbm, idxs_v, idxd_v, rows_v, acc_sh) = refs
        else:
            (x_hbm, srcs_hbm, dsts_hbm, zrow_hbm,
             out_hbm, idxs_v, idxd_v, rows_v, acc_sh) = refs
        c = lax.axis_index("c")
        s = lax.axis_index("s")
        w = c * NS + s
        base = s * ROWS_PER_TILE

        off = pl.multiple_of(w * C, 8)
        pltpu.sync_copy(srcs_hbm.at[pl.ds(off, C)], idxs_v)
        pltpu.sync_copy(dsts_hbm.at[pl.ds(off, C)], idxd_v)
        pltpu.sync_copy(zrow_hbm, rows_v)
        _zero_stripe(rows_v, acc_sh, base)
        plsc.subcore_barrier()

        def chunk(j, carry):
            pltpu.sync_copy(x_hbm.at[idxs_v.at[j]], rows_v)
            pltpu.sync_copy(rows_v, acc_sh.at[idxd_v.at[j]], add=True)
            return carry

        lax.fori_loop(0, C, chunk, 0)
        plsc.subcore_barrier()

        pltpu.sync_copy(acc_sh.at[pl.ds(base, ROWS_PER_TILE)],
                        out_hbm.at[c, pl.ds(base, ROWS_PER_TILE)])

        if with_deg:
            pltpu.sync_copy(zrow_hbm, rows_v)
            _zero_stripe(rows_v, acc_sh, base)
            pltpu.sync_copy(ones_hbm, rows_v)
            plsc.subcore_barrier()

            def dchunk(j, carry):
                pltpu.sync_copy(rows_v, acc_sh.at[idxd_v.at[j]], add=True)
                return carry

            lax.fori_loop(0, C, dchunk, 0)
            plsc.subcore_barrier()
            pltpu.sync_copy(acc_sh.at[pl.ds(base, ROWS_PER_TILE)],
                            deg_hbm.at[c, pl.ds(base, ROWS_PER_TILE)])

    out = tuple(out_type) if with_deg else out_type[0]
    return pl.kernel(body, out_type=out, mesh=mesh, scratch_types=scratch)


_spmm_deg = _make_spmm(True)
_spmm = _make_spmm(False)



BLKR = 2000
NBLKR = N // BLKR

_row_spec = pl.BlockSpec((BLKR, H), lambda i: (i, 0))
_p_spec = pl.BlockSpec((NC, BLKR, H), lambda i: (0, i, 0))
_w_spec = pl.BlockSpec((H, H), lambda i: (0, 0))
_b_spec = pl.BlockSpec((1, H), lambda i: (0, 0))


def _first_body(h_ref, ws_ref, wn_ref, b_ref, s_ref, x_ref):
    h = h_ref[...]
    s_ref[...] = jnp.dot(h, ws_ref[...], preferred_element_type=jnp.float32) + b_ref[...]
    x_ref[...] = jnp.dot(h, wn_ref[...], preferred_element_type=jnp.float32)


def _dense_first(h, Ws, Wn, b):
    return pl.pallas_call(
        _first_body,
        grid=(NBLKR,),
        in_specs=[_row_spec, _w_spec, _w_spec, _b_spec],
        out_specs=(_row_spec, _row_spec),
        out_shape=(jax.ShapeDtypeStruct((N, H), jnp.float32),
                   jax.ShapeDtypeStruct((N, H), jnp.float32)),
    )(h, Ws, Wn, b.reshape(1, H))


def _mid_body(s_ref, p_ref, d_ref, ws_ref, wn_ref, b_ref, so_ref, xo_ref):
    agg = p_ref[0] + p_ref[1]
    deg = d_ref[0, :, 0:1] + d_ref[1, :, 0:1]
    rdeg = 1.0 / jnp.maximum(deg, 1.0)
    h = jnp.maximum(s_ref[...] + agg * rdeg, 0.0)
    so_ref[...] = jnp.dot(h, ws_ref[...], preferred_element_type=jnp.float32) + b_ref[...]
    xo_ref[...] = jnp.dot(h, wn_ref[...], preferred_element_type=jnp.float32)


def _dense_mid(S, P, D, Ws, Wn, b):
    return pl.pallas_call(
        _mid_body,
        grid=(NBLKR,),
        in_specs=[_row_spec, _p_spec, _p_spec, _w_spec, _w_spec, _b_spec],
        out_specs=(_row_spec, _row_spec),
        out_shape=(jax.ShapeDtypeStruct((N, H), jnp.float32),
                   jax.ShapeDtypeStruct((N, H), jnp.float32)),
    )(S, P, D, Ws, Wn, b.reshape(1, H))


def _last_body(s_ref, p_ref, d_ref, o_ref):
    agg = p_ref[0] + p_ref[1]
    deg = d_ref[0, :, 0:1] + d_ref[1, :, 0:1]
    rdeg = 1.0 / jnp.maximum(deg, 1.0)
    o_ref[...] = s_ref[...] + agg * rdeg


def _dense_last(S, P, D):
    return pl.pallas_call(
        _last_body,
        grid=(NBLKR,),
        in_specs=[_row_spec, _p_spec, _p_spec],
        out_specs=_row_spec,
        out_shape=jax.ShapeDtypeStruct((N, H), jnp.float32),
    )(S, P, D)



def kernel(node_id, edge_index, emb, Ws0, Wn0, b0, Ws1, Wn1, b1, Ws2, Wn2, b2):
    h0 = emb

    pad = E_PAD - E
    src = jnp.concatenate(
        [edge_index[0].astype(jnp.int32), jnp.zeros((pad,), jnp.int32)]
    ).reshape(TOT_CHUNKS, LANES)
    dst = jnp.concatenate(
        [edge_index[1].astype(jnp.int32), jnp.full((pad,), N, jnp.int32)]
    ).reshape(TOT_CHUNKS, LANES)

    zrow = jnp.zeros((LANES, H), jnp.float32)
    ones = jnp.ones((LANES, H), jnp.float32)

    S0, X0 = _dense_first(h0, Ws0, Wn0, b0)
    P0, D = _spmm_deg(X0, src, dst, zrow, ones)
    S1, X1 = _dense_mid(S0, P0, D, Ws1, Wn1, b1)
    P1 = _spmm(X1, src, dst, zrow)
    S2, X2 = _dense_mid(S1, P1, D, Ws2, Wn2, b2)
    P2 = _spmm(X2, src, dst, zrow)
    return _dense_last(S2, P2, D)

# --- scband reference (transcript-rebuilt; emitter-appended) ---
"""Pipeline reference for scband-graph-sagemodel-1494648619366 (READ-ONLY COPY).

The authoritative reference and input builder live on the scoring server;
editing this copy changes nothing except your own understanding.
"""

import jax, jax.numpy as jnp
import numpy as np

N = 10000
E = 320000
H = 128
OUT = 128

def setup_inputs(seed: int = 0) -> dict:
    key = jax.random.key(seed)
    ks = jax.random.split(key, 12)
    node_id = jnp.arange(N, dtype=jnp.int64) if jax.config.jax_enable_x64 else jnp.arange(N, dtype=jnp.int32)
    edge_index = jax.random.randint(ks[0], (2, E), 0, N)
    emb = jax.random.normal(ks[1], (N, H), dtype=jnp.float32) * 0.02
    # 3 SAGEConv layers (mean aggregator): fc_self W, fc_neigh W, bias
    def lin(k, fi, fo):
        return jax.random.normal(k, (fi, fo), dtype=jnp.float32) * (1.0 / np.sqrt(fi))
    Ws0 = lin(ks[2], H, H); Wn0 = lin(ks[3], H, H); b0 = jnp.zeros((H,), dtype=jnp.float32)
    Ws1 = lin(ks[4], H, H); Wn1 = lin(ks[5], H, H); b1 = jnp.zeros((H,), dtype=jnp.float32)
    Ws2 = lin(ks[6], H, OUT); Wn2 = lin(ks[7], H, OUT); b2 = jnp.zeros((OUT,), dtype=jnp.float32)
    return {"node_id": node_id, "edge_index": edge_index, "emb": emb,
            "Ws0": Ws0, "Wn0": Wn0, "b0": b0,
            "Ws1": Ws1, "Wn1": Wn1, "b1": b1,
            "Ws2": Ws2, "Wn2": Wn2, "b2": b2}

def _sage_layer(h, src, dst, deg, Ws, Wn, b, act):
    # DGL SAGEConv with 'mean' aggregator: rst = fc_self(h) + fc_neigh(mean_{u in N(v)} h_u) + bias
    msg = jnp.take(h, src, axis=0)
    agg = jax.ops.segment_sum(msg, dst, num_segments=N) / deg[:, None]
    rst = h @ Ws + agg @ Wn + b
    if act:
        rst = jax.nn.relu(rst)
    return rst

def reference(node_id, edge_index, emb, Ws0, Wn0, b0, Ws1, Wn1, b1, Ws2, Wn2, b2):
    # mode='node': h = embedding(node_id); dropout=0.0 (identity in eval)
    h = jnp.take(emb, node_id, axis=0)
    src = edge_index[0]
    dst = edge_index[1]
    deg = jax.ops.segment_sum(jnp.ones((E,), dtype=jnp.float32), dst, num_segments=N)
    deg = jnp.clip(deg, 1.0, None)
    h = _sage_layer(h, src, dst, deg, Ws0, Wn0, b0, True)
    h = _sage_layer(h, src, dst, deg, Ws1, Wn1, b1, True)
    h = _sage_layer(h, src, dst, deg, Ws2, Wn2, b2, False)
    # original returns (h, gate_img, gate_gl) with gates None in 'node' mode
    return h

if __name__ == "__main__":
    import jax
    _d = setup_inputs()
    print(jax.jit(kernel)(*tuple(_d.values())))

</pallas_src>

<mosaic_0001>
#map = affine_map<(d0, d1) -> (0, 0)>
#map1 = affine_map<(d0, d1) -> (0, 0, 0)>
module attributes {stable_mosaic.version = 14 : i64} {
  func.func @body(%arg0: i32, %arg1: i32, %arg2: memref<10000x128xf32, #tpu.memory_space<hbm>>, %arg3: memref<2560x128xi32, #tpu.memory_space<hbm>>, %arg4: memref<2560x128xi32, #tpu.memory_space<hbm>>, %arg5: memref<128x128xf32, #tpu.memory_space<hbm>>, %arg6: memref<2x10112x128xf32, #tpu.memory_space<hbm>>, %arg7: memref<80x128xi32, #tpu.memory_space<vmem>>, %arg8: memref<80x128xi32, #tpu.memory_space<vmem>>, %arg9: memref<128x128xf32, #tpu.memory_space<vmem>>, %arg10: memref<10112x128xf32, #tpu.memory_space<vmem_shared>>) attributes {dimension_semantics = [#tpu.dimension_semantics<core_parallel>, #tpu.dimension_semantics<subcore_parallel>], iteration_bounds = array<i64: 2, 16>, scalar_prefetch = 0 : i64, scratch_operands = 4 : i64, tpu.core_type = #tpu.core_type<sc_vector_subcore>, window_params = [{transform_indices = #map}, {transform_indices = #map}, {transform_indices = #map}, {transform_indices = #map}, {transform_indices = #map1}]} {
    %mul3A = arith.constant 16 : i32
    %mul3A_0 = arith.muli %arg0, %mul3A : i32
    %add3A = arith.addi %mul3A_0, %arg1 : i32
    %mul3A_1 = arith.constant 632 : i32
    %mul3A_2 = arith.muli %arg1, %mul3A_1 : i32
    %mul3A_3 = arith.constant 80 : i32
    %mul3A_4 = arith.muli %add3A, %mul3A_3 : i32
    %multiple_of3A = tpu.assume_multiple %mul3A_4, 8 : i32
    "tpu.region"() ({
      %run_scoped3A = tpu.sem_alloc : memref<!tpu.dma_semaphore, #tpu.memory_space<semaphore_mem>>
      %dma_start3A = arith.constant 0 : i32
      %dma_start3A_21 = tpu.memref_slice %arg3[%multiple_of3A, %dma_start3A] : memref<2560x128xi32, #tpu.memory_space<hbm>> -> memref<80x128xi32, #tpu.memory_space<hbm>>
      %dma_start3A_22 = arith.constant 0 : i32
      %dma_start3A_23 = tpu.memref_slice %arg3[%multiple_of3A, %dma_start3A_22] : memref<2560x128xi32, #tpu.memory_space<hbm>> -> memref<80x128xi32, #tpu.memory_space<hbm>>
      tpu.enqueue_dma source(%dma_start3A_23 : memref<80x128xi32, #tpu.memory_space<hbm>>) target(%arg7 : memref<80x128xi32, #tpu.memory_space<vmem>>) target_semaphore(%run_scoped3A : memref<!tpu.dma_semaphore, #tpu.memory_space<semaphore_mem>>)
      %dma_wait3A = arith.constant 0 : i32
      %dma_wait3A_24 = tpu.memref_slice %arg3[%multiple_of3A, %dma_wait3A] : memref<2560x128xi32, #tpu.memory_space<hbm>> -> memref<80x128xi32, #tpu.memory_space<hbm>>
      %dma_wait3A_25 = arith.constant 0 : i32
      %dma_wait3A_26 = tpu.memref_slice %arg3[%multiple_of3A, %dma_wait3A_25] : memref<2560x128xi32, #tpu.memory_space<hbm>> -> memref<80x128xi32, #tpu.memory_space<hbm>>
      tpu.wait_dma2 semaphore(%run_scoped3A : memref<!tpu.dma_semaphore, #tpu.memory_space<semaphore_mem>>) src(%dma_wait3A_26 : memref<80x128xi32, #tpu.memory_space<hbm>>) dst(%arg7 : memref<80x128xi32, #tpu.memory_space<vmem>>)
      tpu.yield
    }) : () -> ()
    "tpu.region"() ({
      %run_scoped3A = tpu.sem_alloc : memref<!tpu.dma_semaphore, #tpu.memory_space<semaphore_mem>>
      %dma_start3A = arith.constant 0 : i32
      %dma_start3A_21 = tpu.memref_slice %arg4[%multiple_of3A, %dma_start3A] : memref<2560x128xi32, #tpu.memory_space<hbm>> -> memref<80x128xi32, #tpu.memory_space<hbm>>
      %dma_start3A_22 = arith.constant 0 : i32
      %dma_start3A_23 = tpu.memref_slice %arg4[%multiple_of3A, %dma_start3A_22] : memref<2560x128xi32, #tpu.memory_space<hbm>> -> memref<80x128xi32, #tpu.memory_space<hbm>>
      tpu.enqueue_dma source(%dma_start3A_23 : memref<80x128xi32, #tpu.memory_space<hbm>>) target(%arg8 : memref<80x128xi32, #tpu.memory_space<vmem>>) target_semaphore(%run_scoped3A : memref<!tpu.dma_semaphore, #tpu.memory_space<semaphore_mem>>)
      %dma_wait3A = arith.constant 0 : i32
      %dma_wait3A_24 = tpu.memref_slice %arg4[%multiple_of3A, %dma_wait3A] : memref<2560x128xi32, #tpu.memory_space<hbm>> -> memref<80x128xi32, #tpu.memory_space<hbm>>
      %dma_wait3A_25 = arith.constant 0 : i32
      %dma_wait3A_26 = tpu.memref_slice %arg4[%multiple_of3A, %dma_wait3A_25] : memref<2560x128xi32, #tpu.memory_space<hbm>> -> memref<80x128xi32, #tpu.memory_space<hbm>>
      tpu.wait_dma2 semaphore(%run_scoped3A : memref<!tpu.dma_semaphore, #tpu.memory_space<semaphore_mem>>) src(%dma_wait3A_26 : memref<80x128xi32, #tpu.memory_space<hbm>>) dst(%arg8 : memref<80x128xi32, #tpu.memory_space<vmem>>)
      tpu.yield
    }) : () -> ()
    "tpu.region"() ({
      %run_scoped3A = tpu.sem_alloc : memref<!tpu.dma_semaphore, #tpu.memory_space<semaphore_mem>>
      tpu.enqueue_dma source(%arg5 : memref<128x128xf32, #tpu.memory_space<hbm>>) target(%arg9 : memref<128x128xf32, #tpu.memory_space<vmem>>) target_semaphore(%run_scoped3A : memref<!tpu.dma_semaphore, #tpu.memory_space<semaphore_mem>>)
      tpu.wait_dma2 semaphore(%run_scoped3A : memref<!tpu.dma_semaphore, #tpu.memory_space<semaphore_mem>>) src(%arg5 : memref<128x128xf32, #tpu.memory_space<hbm>>) dst(%arg9 : memref<128x128xf32, #tpu.memory_space<vmem>>)
      tpu.yield
    }) : () -> ()
    %add3A_5 = arith.constant 0 : i32
    %add3A_6 = arith.addi %mul3A_2, %add3A_5 : i32
    "tpu.region"() ({
      %run_scoped3A = tpu.sem_alloc : memref<!tpu.dma_semaphore, #tpu.memory_space<semaphore_mem>>
      %dma_start3A = arith.constant 0 : i32
      %dma_start3A_21 = tpu.memref_slice %arg10[%add3A_6, %dma_start3A] : memref<10112x128xf32, #tpu.memory_space<vmem_shared>> -> memref<128x128xf32, #tpu.memory_space<vmem_shared>>
      %dma_start3A_22 = arith.constant 0 : i32
      %dma_start3A_23 = tpu.memref_slice %arg10[%add3A_6, %dma_start3A_22] : memref<10112x128xf32, #tpu.memory_space<vmem_shared>> -> memref<128x128xf32, #tpu.memory_space<vmem_shared>>
      tpu.enqueue_dma source(%arg9 : memref<128x128xf32, #tpu.memory_space<vmem>>) target(%dma_start3A_23 : memref<128x128xf32, #tpu.memory_space<vmem_shared>>) target_semaphore(%run_scoped3A : memref<!tpu.dma_semaphore, #tpu.memory_space<semaphore_mem>>)
      %dma_wait3A = arith.constant 0 : i32
      %dma_wait3A_24 = tpu.memref_slice %arg10[%add3A_6, %dma_wait3A] : memref<10112x128xf32, #tpu.memory_space<vmem_shared>> -> memref<128x128xf32, #tpu.memory_space<vmem_shared>>
      %dma_wait3A_25 = arith.constant 0 : i32
      %dma_wait3A_26 = tpu.memref_slice %arg10[%add3A_6, %dma_wait3A_25] : memref<10112x128xf32, #tpu.memory_space<vmem_shared>> -> memref<128x128xf32, #tpu.memory_space<vmem_shared>>
      tpu.wait_dma2 semaphore(%run_scoped3A : memref<!tpu.dma_semaphore, #tpu.memory_space<semaphore_mem>>) src(%arg9 : memref<128x128xf32, #tpu.memory_space<vmem>>) dst(%dma_wait3A_26 : memref<128x128xf32, #tpu.memory_space<vmem_shared>>)
      tpu.yield
    }) : () -> ()
    %add3A_7 = arith.constant 128 : i32
    %add3A_8 = arith.addi %mul3A_2, %add3A_7 : i32
    "tpu.region"() ({
      %run_scoped3A = tpu.sem_alloc : memref<!tpu.dma_semaphore, #tpu.memory_space<semaphore_mem>>
      %dma_start3A = arith.constant 0 : i32
      %dma_start3A_21 = tpu.memref_slice %arg10[%add3A_8, %dma_start3A] : memref<10112x128xf32, #tpu.memory_space<vmem_shared>> -> memref<128x128xf32, #tpu.memory_space<vmem_shared>>
      %dma_start3A_22 = arith.constant 0 : i32
      %dma_start3A_23 = tpu.memref_slice %arg10[%add3A_8, %dma_start3A_22] : memref<10112x128xf32, #tpu.memory_space<vmem_shared>> -> memref<128x128xf32, #tpu.memory_space<vmem_shared>>
      tpu.enqueue_dma source(%arg9 : memref<128x128xf32, #tpu.memory_space<vmem>>) target(%dma_start3A_23 : memref<128x128xf32, #tpu.memory_space<vmem_shared>>) target_semaphore(%run_scoped3A : memref<!tpu.dma_semaphore, #tpu.memory_space<semaphore_mem>>)
      %dma_wait3A = arith.constant 0 : i32
      %dma_wait3A_24 = tpu.memref_slice %arg10[%add3A_8, %dma_wait3A] : memref<10112x128xf32, #tpu.memory_space<vmem_shared>> -> memref<128x128xf32, #tpu.memory_space<vmem_shared>>
      %dma_wait3A_25 = arith.constant 0 : i32
      %dma_wait3A_26 = tpu.memref_slice %arg10[%add3A_8, %dma_wait3A_25] : memref<10112x128xf32, #tpu.memory_space<vmem_shared>> -> memref<128x128xf32, #tpu.memory_space<vmem_shared>>
      tpu.wait_dma2 semaphore(%run_scoped3A : memref<!tpu.dma_semaphore, #tpu.memory_space<semaphore_mem>>) src(%arg9 : memref<128x128xf32, #tpu.memory_space<vmem>>) dst(%dma_wait3A_26 : memref<128x128xf32, #tpu.memory_space<vmem_shared>>)
      tpu.yield
    }) : () -> ()
    %add3A_9 = arith.constant 256 : i32
    %add3A_10 = arith.addi %mul3A_2, %add3A_9 : i32
    "tpu.region"() ({
      %run_scoped3A = tpu.sem_alloc : memref<!tpu.dma_semaphore, #tpu.memory_space<semaphore_mem>>
      %dma_start3A = arith.constant 0 : i32
      %dma_start3A_21 = tpu.memref_slice %arg10[%add3A_10, %dma_start3A] : memref<10112x128xf32, #tpu.memory_space<vmem_shared>> -> memref<128x128xf32, #tpu.memory_space<vmem_shared>>
      %dma_start3A_22 = arith.constant 0 : i32
      %dma_start3A_23 = tpu.memref_slice %arg10[%add3A_10, %dma_start3A_22] : memref<10112x128xf32, #tpu.memory_space<vmem_shared>> -> memref<128x128xf32, #tpu.memory_space<vmem_shared>>
      tpu.enqueue_dma source(%arg9 : memref<128x128xf32, #tpu.memory_space<vmem>>) target(%dma_start3A_23 : memref<128x128xf32, #tpu.memory_space<vmem_shared>>) target_semaphore(%run_scoped3A : memref<!tpu.dma_semaphore, #tpu.memory_space<semaphore_mem>>)
      %dma_wait3A = arith.constant 0 : i32
      %dma_wait3A_24 = tpu.memref_slice %arg10[%add3A_10, %dma_wait3A] : memref<10112x128xf32, #tpu.memory_space<vmem_shared>> -> memref<128x128xf32, #tpu.memory_space<vmem_shared>>
      %dma_wait3A_25 = arith.constant 0 : i32
      %dma_wait3A_26 = tpu.memref_slice %arg10[%add3A_10, %dma_wait3A_25] : memref<10112x128xf32, #tpu.memory_space<vmem_shared>> -> memref<128x128xf32, #tpu.memory_space<vmem_shared>>
      tpu.wait_dma2 semaphore(%run_scoped3A : memref<!tpu.dma_semaphore, #tpu.memory_space<semaphore_mem>>) src(%arg9 : memref<128x128xf32, #tpu.memory_space<vmem>>) dst(%dma_wait3A_26 : memref<128x128xf32, #tpu.memory_space<vmem_shared>>)
      tpu.yield
    }) : () -> ()
    %add3A_11 = arith.constant 384 : i32
    %add3A_12 = arith.addi %mul3A_2, %add3A_11 : i32
    "tpu.region"() ({
      %run_scoped3A = tpu.sem_alloc : memref<!tpu.dma_semaphore, #tpu.memory_space<semaphore_mem>>
      %dma_start3A = arith.constant 0 : i32
      %dma_start3A_21 = tpu.memref_slice %arg10[%add3A_12, %dma_start3A] : memref<10112x128xf32, #tpu.memory_space<vmem_shared>> -> memref<128x128xf32, #tpu.memory_space<vmem_shared>>
      %dma_start3A_22 = arith.constant 0 : i32
      %dma_start3A_23 = tpu.memref_slice %arg10[%add3A_12, %dma_start3A_22] : memref<10112x128xf32, #tpu.memory_space<vmem_shared>> -> memref<128x128xf32, #tpu.memory_space<vmem_shared>>
      tpu.enqueue_dma source(%arg9 : memref<128x128xf32, #tpu.memory_space<vmem>>) target(%dma_start3A_23 : memref<128x128xf32, #tpu.memory_space<vmem_shared>>) target_semaphore(%run_scoped3A : memref<!tpu.dma_semaphore, #tpu.memory_space<semaphore_mem>>)
      %dma_wait3A = arith.constant 0 : i32
      %dma_wait3A_24 = tpu.memref_slice %arg10[%add3A_12, %dma_wait3A] : memref<10112x128xf32, #tpu.memory_space<vmem_shared>> -> memref<128x128xf32, #tpu.memory_space<vmem_shared>>
      %dma_wait3A_25 = arith.constant 0 : i32
      %dma_wait3A_26 = tpu.memref_slice %arg10[%add3A_12, %dma_wait3A_25] : memref<10112x128xf32, #tpu.memory_space<vmem_shared>> -> memref<128x128xf32, #tpu.memory_space<vmem_shared>>
      tpu.wait_dma2 semaphore(%run_scoped3A : memref<!tpu.dma_semaphore, #tpu.memory_space<semaphore_mem>>) src(%arg9 : memref<128x128xf32, #tpu.memory_space<vmem>>) dst(%dma_wait3A_26 : memref<128x128xf32, #tpu.memory_space<vmem_shared>>)
      tpu.yield
    }) : () -> ()
    %add3A_13 = arith.constant 512 : i32
    %add3A_14 = arith.addi %mul3A_2, %add3A_13 : i32
    "tpu.region"() ({
      %run_scoped3A = tpu.sem_alloc : memref<!tpu.dma_semaphore, #tpu.memory_space<semaphore_mem>>
      %dma_start3A = arith.constant 0 : i32
      %dma_start3A_21 = arith.constant 0 : i32
      %dma_start3A_22 = tpu.memref_slice %arg9[%dma_start3A, %dma_start3A_21] : memref<128x128xf32, #tpu.memory_space<vmem>> -> memref<120x128xf32, #tpu.memory_space<vmem>>
      %dma_start3A_23 = arith.constant 0 : i32
      %dma_start3A_24 = tpu.memref_slice %arg10[%add3A_14, %dma_start3A_23] : memref<10112x128xf32, #tpu.memory_space<vmem_shared>> -> memref<120x128xf32, #tpu.memory_space<vmem_shared>>
      %dma_start3A_25 = arith.constant 0 : i32
      %dma_start3A_26 = tpu.memref_slice %arg10[%add3A_14, %dma_start3A_25] : memref<10112x128xf32, #tpu.memory_space<vmem_shared>> -> memref<120x128xf32, #tpu.memory_space<vmem_shared>>
      %dma_start3A_27 = arith.constant 0 : i32
      %dma_start3A_28 = arith.constant 0 : i32
      %dma_start3A_29 = tpu.memref_slice %arg9[%dma_start3A_27, %dma_start3A_28] : memref<128x128xf32, #tpu.memory_space<vmem>> -> memref<120x128xf32, #tpu.memory_space<vmem>>
      tpu.enqueue_dma source(%dma_start3A_29 : memref<120x128xf32, #tpu.memory_space<vmem>>) target(%dma_start3A_26 : memref<120x128xf32, #tpu.memory_space<vmem_shared>>) target_semaphore(%run_scoped3A : memref<!tpu.dma_semaphore, #tpu.memory_space<semaphore_mem>>)
      %dma_wait3A = arith.constant 0 : i32
      %dma_wait3A_30 = arith.constant 0 : i32
      %dma_wait3A_31 = tpu.memref_slice %arg9[%dma_wait3A, %dma_wait3A_30] : memref<128x128xf32, #tpu.memory_space<vmem>> -> memref<120x128xf32, #tpu.memory_space<vmem>>
      %dma_wait3A_32 = arith.constant 0 : i32
      %dma_wait3A_33 = tpu.memref_slice %arg10[%add3A_14, %dma_wait3A_32] : memref<10112x128xf32, #tpu.memory_space<vmem_shared>> -> memref<120x128xf32, #tpu.memory_space<vmem_shared>>
      %dma_wait3A_34 = arith.constant 0 : i32
      %dma_wait3A_35 = tpu.memref_slice %arg10[%add3A_14, %dma_wait3A_34] : memref<10112x128xf32, #tpu.memory_space<vmem_shared>> -> memref<120x128xf32, #tpu.memory_space<vmem_shared>>
      %dma_wait3A_36 = arith.constant 0 : i32
      %dma_wait3A_37 = arith.constant 0 : i32
      %dma_wait3A_38 = tpu.memref_slice %arg9[%dma_wait3A_36, %dma_wait3A_37] : memref<128x128xf32, #tpu.memory_space<vmem>> -> memref<120x128xf32, #tpu.memory_space<vmem>>
      tpu.wait_dma2 semaphore(%run_scoped3A : memref<!tpu.dma_semaphore, #tpu.memory_space<semaphore_mem>>) src(%dma_wait3A_38 : memref<120x128xf32, #tpu.memory_space<vmem>>) dst(%dma_wait3A_35 : memref<120x128xf32, #tpu.memory_space<vmem_shared>>)
      tpu.yield
    }) : () -> ()
    %barrier3A = arith.constant 0 : index
    tpu.barrier barrier_id(%barrier3A)
    %scan3A = arith.constant 0 : i32
    %scan3A_15 = arith.constant 0 : i32
    %scan3A_16 = arith.constant 80 : i32
    %scan3A_17 = arith.addi %scan3A_15, %scan3A_16 : i32
    %scan3A_18 = arith.constant 1 : i32
    scf.for %scan3A_21 = %scan3A_15 to %scan3A_17 step %scan3A_18  : i32 {
      "tpu.region"() ({
        %run_scoped3A = tpu.sem_alloc : memref<!tpu.dma_semaphore, #tpu.memory_space<semaphore_mem>>
        %dma_start3A = arith.constant 0 : i32
        %dma_start3A_22 = tpu.memref_slice %arg7[%scan3A_21, %dma_start3A] : memref<80x128xi32, #tpu.memory_space<vmem>> -> memref<1x128xi32, #tpu.memory_space<vmem>>
        %dma_start3A_23 = tpu.memref_squeeze %dma_start3A_22 : memref<1x128xi32, #tpu.memory_space<vmem>> -> memref<128xi32, #tpu.memory_space<vmem>>
        %dma_start3A_24 = arith.constant 0 : i32
        %dma_start3A_25 = arith.constant 0 : i32
        %dma_start3A_26 = tpu.memref_slice %arg2[%dma_start3A_24, %dma_start3A_25] : memref<10000x128xf32, #tpu.memory_space<hbm>> -> memref<10000x128xf32, #tpu.memory_space<hbm>>
        tpu.enqueue_indirect_dma source(%dma_start3A_26 : memref<10000x128xf32, #tpu.memory_space<hbm>>) target(%arg9 : memref<128x128xf32, #tpu.memory_space<vmem>>) offsets(%dma_start3A_23 : memref<128xi32, #tpu.memory_space<vmem>>) semaphore(%run_scoped3A : memref<!tpu.dma_semaphore, #tpu.memory_space<semaphore_mem>>)
        %dma_wait3A = arith.constant 0 : i32
        %dma_wait3A_27 = tpu.memref_slice %arg7[%scan3A_21, %dma_wait3A] : memref<80x128xi32, #tpu.memory_space<vmem>> -> memref<1x128xi32, #tpu.memory_space<vmem>>
        %dma_wait3A_28 = tpu.memref_squeeze %dma_wait3A_27 : memref<1x128xi32, #tpu.memory_space<vmem>> -> memref<128xi32, #tpu.memory_space<vmem>>
        %dma_wait3A_29 = arith.constant 0 : i32
        %dma_wait3A_30 = arith.constant 0 : i32
        %dma_wait3A_31 = tpu.memref_slice %arg2[%dma_wait3A_29, %dma_wait3A_30] : memref<10000x128xf32, #tpu.memory_space<hbm>> -> memref<10000x128xf32, #tpu.memory_space<hbm>>
        tpu.wait_indirect_dma semaphore(%run_scoped3A : memref<!tpu.dma_semaphore, #tpu.memory_space<semaphore_mem>>) src(%dma_wait3A_31 : memref<10000x128xf32, #tpu.memory_space<hbm>>) dst(%arg9 : memref<128x128xf32, #tpu.memory_space<vmem>>)
        tpu.yield
      }) : () -> ()
      "tpu.region"() ({
        %run_scoped3A = tpu.sem_alloc : memref<!tpu.dma_semaphore, #tpu.memory_space<semaphore_mem>>
        %dma_start3A = arith.constant 0 : i32
        %dma_start3A_22 = tpu.memref_slice %arg8[%scan3A_21, %dma_start3A] : memref<80x128xi32, #tpu.memory_space<vmem>> -> memref<1x128xi32, #tpu.memory_space<vmem>>
        %dma_start3A_23 = tpu.memref_squeeze %dma_start3A_22 : memref<1x128xi32, #tpu.memory_space<vmem>> -> memref<128xi32, #tpu.memory_space<vmem>>
        %dma_start3A_24 = arith.constant 0 : i32
        %dma_start3A_25 = arith.constant 0 : i32
        %dma_start3A_26 = tpu.memref_slice %arg10[%dma_start3A_24, %dma_start3A_25] : memref<10112x128xf32, #tpu.memory_space<vmem_shared>> -> memref<10112x128xf32, #tpu.memory_space<vmem_shared>>
        tpu.enqueue_indirect_dma source(%arg9 : memref<128x128xf32, #tpu.memory_space<vmem>>) target(%dma_start3A_26 : memref<10112x128xf32, #tpu.memory_space<vmem_shared>>) offsets(%dma_start3A_23 : memref<128xi32, #tpu.memory_space<vmem>>) semaphore(%run_scoped3A : memref<!tpu.dma_semaphore, #tpu.memory_space<semaphore_mem>>) {add = true}
        %dma_wait3A = arith.constant 0 : i32
        %dma_wait3A_27 = tpu.memref_slice %arg8[%scan3A_21, %dma_wait3A] : memref<80x128xi32, #tpu.memory_space<vmem>> -> memref<1x128xi32, #tpu.memory_space<vmem>>
        %dma_wait3A_28 = tpu.memref_squeeze %dma_wait3A_27 : memref<1x128xi32, #tpu.memory_space<vmem>> -> memref<128xi32, #tpu.memory_space<vmem>>
        %dma_wait3A_29 = arith.constant 0 : i32
        %dma_wait3A_30 = arith.constant 0 : i32
        %dma_wait3A_31 = tpu.memref_slice %arg10[%dma_wait3A_29, %dma_wait3A_30] : memref<10112x128xf32, #tpu.memory_space<vmem_shared>> -> memref<10112x128xf32, #tpu.memory_space<vmem_shared>>
        tpu.wait_indirect_dma semaphore(%run_scoped3A : memref<!tpu.dma_semaphore, #tpu.memory_space<semaphore_mem>>) src(%arg9 : memref<128x128xf32, #tpu.memory_space<vmem>>) dst(%dma_wait3A_31 : memref<10112x128xf32, #tpu.memory_space<vmem_shared>>)
        tpu.yield
      }) : () -> ()
    }
    %scan3A_19 = arith.constant 80 : i32
    %barrier3A_20 = arith.constant 0 : index
    tpu.barrier barrier_id(%barrier3A_20)
    "tpu.region"() ({
      %run_scoped3A = tpu.sem_alloc : memref<!tpu.dma_semaphore, #tpu.memory_space<semaphore_mem>>
      %dma_start3A = arith.constant 0 : i32
      %dma_start3A_21 = tpu.memref_slice %arg6[%arg0, %mul3A_2, %dma_start3A] : memref<2x10112x128xf32, #tpu.memory_space<hbm>> -> memref<1x632x128xf32, #tpu.memory_space<hbm>>
      %dma_start3A_22 = tpu.memref_squeeze %dma_start3A_21 : memref<1x632x128xf32, #tpu.memory_space<hbm>> -> memref<632x128xf32, #tpu.memory_space<hbm>>
      %dma_start3A_23 = arith.constant 0 : i32
      %dma_start3A_24 = tpu.memref_slice %arg10[%mul3A_2, %dma_start3A_23] : memref<10112x128xf32, #tpu.memory_space<vmem_shared>> -> memref<632x128xf32, #tpu.memory_space<vmem_shared>>
      tpu.enqueue_dma source(%dma_start3A_24 : memref<632x128xf32, #tpu.memory_space<vmem_shared>>) target(%dma_start3A_22 : memref<632x128xf32, #tpu.memory_space<hbm>>) target_semaphore(%run_scoped3A : memref<!tpu.dma_semaphore, #tpu.memory_space<semaphore_mem>>)
      %dma_wait3A = arith.constant 0 : i32
      %dma_wait3A_25 = tpu.memref_slice %arg6[%arg0, %mul3A_2, %dma_wait3A] : memref<2x10112x128xf32, #tpu.memory_space<hbm>> -> memref<1x632x128xf32, #tpu.memory_space<hbm>>
      %dma_wait3A_26 = tpu.memref_squeeze %dma_wait3A_25 : memref<1x632x128xf32, #tpu.memory_space<hbm>> -> memref<632x128xf32, #tpu.memory_space<hbm>>
      %dma_wait3A_27 = arith.constant 0 : i32
      %dma_wait3A_28 = tpu.memref_slice %arg10[%mul3A_2, %dma_wait3A_27] : memref<10112x128xf32, #tpu.memory_space<vmem_shared>> -> memref<632x128xf32, #tpu.memory_space<vmem_shared>>
      tpu.wait_dma2 semaphore(%run_scoped3A : memref<!tpu.dma_semaphore, #tpu.memory_space<semaphore_mem>>) src(%dma_wait3A_28 : memref<632x128xf32, #tpu.memory_space<vmem_shared>>) dst(%dma_wait3A_26 : memref<632x128xf32, #tpu.memory_space<hbm>>)
      tpu.yield
    }) : () -> ()
    return
  }
}

#map = affine_map<(d0, d1) -> (0, 0)>
#map1 = affine_map<(d0, d1) -> (0, 0, 0)>
module attributes {stable_mosaic.version = 14 : i64} {
  func.func @body(%arg0: i32, %arg1: i32, %arg2: memref<10000x128xf32, #tpu.memory_space<hbm>>, %arg3: memref<2560x128xi32, #tpu.memory_space<hbm>>, %arg4: memref<2560x128xi32, #tpu.memory_space<hbm>>, %arg5: memref<128x128xf32, #tpu.memory_space<hbm>>, %arg6: memref<128x128xf32, #tpu.memory_space<hbm>>, %arg7: memref<2x10112x128xf32, #tpu.memory_space<hbm>>, %arg8: memref<2x10112x128xf32, #tpu.memory_space<hbm>>, %arg9: memref<80x128xi32, #tpu.memory_space<vmem>>, %arg10: memref<80x128xi32, #tpu.memory_space<vmem>>, %arg11: memref<128x128xf32, #tpu.memory_space<vmem>>, %arg12: memref<10112x128xf32, #tpu.memory_space<vmem_shared>>) attributes {dimension_semantics = [#tpu.dimension_semantics<core_parallel>, #tpu.dimension_semantics<subcore_parallel>], iteration_bounds = array<i64: 2, 16>, scalar_prefetch = 0 : i64, scratch_operands = 4 : i64, tpu.core_type = #tpu.core_type<sc_vector_subcore>, window_params = [{transform_indices = #map}, {transform_indices = #map}, {transform_indices = #map}, {transform_indices = #map}, {transform_indices = #map}, {transform_indices = #map1}, {transform_indices = #map1}]} {
    %mul3A = arith.constant 16 : i32
    %mul3A_0 = arith.muli %arg0, %mul3A : i32
    %add3A = arith.addi %mul3A_0, %arg1 : i32
    %mul3A_1 = arith.constant 632 : i32
    %mul3A_2 = arith.muli %arg1, %mul3A_1 : i32
    %mul3A_3 = arith.constant 80 : i32
    %mul3A_4 = arith.muli %add3A, %mul3A_3 : i32
    %multiple_of3A = tpu.assume_multiple %mul3A_4, 8 : i32
    "tpu.region"() ({
      %run_scoped3A = tpu.sem_alloc : memref<!tpu.dma_semaphore, #tpu.memory_space<semaphore_mem>>
      %dma_start3A = arith.constant 0 : i32
      %dma_start3A_39 = tpu.memref_slice %arg3[%multiple_of3A, %dma_start3A] : memref<2560x128xi32, #tpu.memory_space<hbm>> -> memref<80x128xi32, #tpu.memory_space<hbm>>
      %dma_start3A_40 = arith.constant 0 : i32
      %dma_start3A_41 = tpu.memref_slice %arg3[%multiple_of3A, %dma_start3A_40] : memref<2560x128xi32, #tpu.memory_space<hbm>> -> memref<80x128xi32, #tpu.memory_space<hbm>>
      tpu.enqueue_dma source(%dma_start3A_41 : memref<80x128xi32, #tpu.memory_space<hbm>>) target(%arg9 : memref<80x128xi32, #tpu.memory_space<vmem>>) target_semaphore(%run_scoped3A : memref<!tpu.dma_semaphore, #tpu.memory_space<semaphore_mem>>)
      %dma_wait3A = arith.constant 0 : i32
      %dma_wait3A_42 = tpu.memref_slice %arg3[%multiple_of3A, %dma_wait3A] : memref<2560x128xi32, #tpu.memory_space<hbm>> -> memref<80x128xi32, #tpu.memory_space<hbm>>
      %dma_wait3A_43 = arith.constant 0 : i32
      %dma_wait3A_44 = tpu.memref_slice %arg3[%multiple_of3A, %dma_wait3A_43] : memref<2560x128xi32, #tpu.memory_space<hbm>> -> memref<80x128xi32, #tpu.memory_space<hbm>>
      tpu.wait_dma2 semaphore(%run_scoped3A : memref<!tpu.dma_semaphore, #tpu.memory_space<semaphore_mem>>) src(%dma_wait3A_44 : memref<80x128xi32, #tpu.memory_space<hbm>>) dst(%arg9 : memref<80x128xi32, #tpu.memory_space<vmem>>)
      tpu.yield
    }) : () -> ()
    "tpu.region"() ({
      %run_scoped3A = tpu.sem_alloc : memref<!tpu.dma_semaphore, #tpu.memory_space<semaphore_mem>>
      %dma_start3A = arith.constant 0 : i32
      %dma_start3A_39 = tpu.memref_slice %arg4[%multiple_of3A, %dma_start3A] : memref<2560x128xi32, #tpu.memory_space<hbm>> -> memref<80x128xi32, #tpu.memory_space<hbm>>
      %dma_start3A_40 = arith.constant 0 : i32
      %dma_start3A_41 = tpu.memref_slice %arg4[%multiple_of3A, %dma_start3A_40] : memref<2560x128xi32, #tpu.memory_space<hbm>> -> memref<80x128xi32, #tpu.memory_space<hbm>>
      tpu.enqueue_dma source(%dma_start3A_41 : memref<80x128xi32, #tpu.memory_space<hbm>>) target(%arg10 : memref<80x128xi32, #tpu.memory_space<vmem>>) target_semaphore(%run_scoped3A : memref<!tpu.dma_semaphore, #tpu.memory_space<semaphore_mem>>)
      %dma_wait3A = arith.constant 0 : i32
      %dma_wait3A_42 = tpu.memref_slice %arg4[%multiple_of3A, %dma_wait3A] : memref<2560x128xi32, #tpu.memory_space<hbm>> -> memref<80x128xi32, #tpu.memory_space<hbm>>
      %dma_wait3A_43 = arith.constant 0 : i32
      %dma_wait3A_44 = tpu.memref_slice %arg4[%multiple_of3A, %dma_wait3A_43] : memref<2560x128xi32, #tpu.memory_space<hbm>> -> memref<80x128xi32, #tpu.memory_space<hbm>>
      tpu.wait_dma2 semaphore(%run_scoped3A : memref<!tpu.dma_semaphore, #tpu.memory_space<semaphore_mem>>) src(%dma_wait3A_44 : memref<80x128xi32, #tpu.memory_space<hbm>>) dst(%arg10 : memref<80x128xi32, #tpu.memory_space<vmem>>)
      tpu.yield
    }) : () -> ()
    "tpu.region"() ({
      %run_scoped3A = tpu.sem_alloc : memref<!tpu.dma_semaphore, #tpu.memory_space<semaphore_mem>>
      tpu.enqueue_dma source(%arg5 : memref<128x128xf32, #tpu.memory_space<hbm>>) target(%arg11 : memref<128x128xf32, #tpu.memory_space<vmem>>) target_semaphore(%run_scoped3A : memref<!tpu.dma_semaphore, #tpu.memory_space<semaphore_mem>>)
      tpu.wait_dma2 semaphore(%run_scoped3A : memref<!tpu.dma_semaphore, #tpu.memory_space<semaphore_mem>>) src(%arg5 : memref<128x128xf32, #tpu.memory_space<hbm>>) dst(%arg11 : memref<128x128xf32, #tpu.memory_space<vmem>>)
      tpu.yield
    }) : () -> ()
    %add3A_5 = arith.constant 0 : i32
    %add3A_6 = arith.addi %mul3A_2, %add3A_5 : i32
    "tpu.region"() ({
      %run_scoped3A = tpu.sem_alloc : memref<!tpu.dma_semaphore, #tpu.memory_space<semaphore_mem>>
      %dma_start3A = arith.constant 0 : i32
      %dma_start3A_39 = tpu.memref_slice %arg12[%add3A_6, %dma_start3A] : memref<10112x128xf32, #tpu.memory_space<vmem_shared>> -> memref<128x128xf32, #tpu.memory_space<vmem_shared>>
      %dma_start3A_40 = arith.constant 0 : i32
      %dma_start3A_41 = tpu.memref_slice %arg12[%add3A_6, %dma_start3A_40] : memref<10112x128xf32, #tpu.memory_space<vmem_shared>> -> memref<128x128xf32, #tpu.memory_space<vmem_shared>>
      tpu.enqueue_dma source(%arg11 : memref<128x128xf32, #tpu.memory_space<vmem>>) target(%dma_start3A_41 : memref<128x128xf32, #tpu.memory_space<vmem_shared>>) target_semaphore(%run_scoped3A : memref<!tpu.dma_semaphore, #tpu.memory_space<semaphore_mem>>)
      %dma_wait3A = arith.constant 0 : i32
      %dma_wait3A_42 = tpu.memref_slice %arg12[%add3A_6, %dma_wait3A] : memref<10112x128xf32, #tpu.memory_space<vmem_shared>> -> memref<128x128xf32, #tpu.memory_space<vmem_shared>>
      %dma_wait3A_43 = arith.constant 0 : i32
      %dma_wait3A_44 = tpu.memref_slice %arg12[%add3A_6, %dma_wait3A_43] : memref<10112x128xf32, #tpu.memory_space<vmem_shared>> -> memref<128x128xf32, #tpu.memory_space<vmem_shared>>
      tpu.wait_dma2 semaphore(%run_scoped3A : memref<!tpu.dma_semaphore, #tpu.memory_space<semaphore_mem>>) src(%arg11 : memref<128x128xf32, #tpu.memory_space<vmem>>) dst(%dma_wait3A_44 : memref<128x128xf32, #tpu.memory_space<vmem_shared>>)
      tpu.yield
    }) : () -> ()
    %add3A_7 = arith.constant 128 : i32
    %add3A_8 = arith.addi %mul3A_2, %add3A_7 : i32
    "tpu.region"() ({
      %run_scoped3A = tpu.sem_alloc : memref<!tpu.dma_semaphore, #tpu.memory_space<semaphore_mem>>
      %dma_start3A = arith.constant 0 : i32
      %dma_start3A_39 = tpu.memref_slice %arg12[%add3A_8, %dma_start3A] : memref<10112x128xf32, #tpu.memory_space<vmem_shared>> -> memref<128x128xf32, #tpu.memory_space<vmem_shared>>
      %dma_start3A_40 = arith.constant 0 : i32
      %dma_start3A_41 = tpu.memref_slice %arg12[%add3A_8, %dma_start3A_40] : memref<10112x128xf32, #tpu.memory_space<vmem_shared>> -> memref<128x128xf32, #tpu.memory_space<vmem_shared>>
      tpu.enqueue_dma source(%arg11 : memref<128x128xf32, #tpu.memory_space<vmem>>) target(%dma_start3A_41 : memref<128x128xf32, #tpu.memory_space<vmem_shared>>) target_semaphore(%run_scoped3A : memref<!tpu.dma_semaphore, #tpu.memory_space<semaphore_mem>>)
      %dma_wait3A = arith.constant 0 : i32
      %dma_wait3A_42 = tpu.memref_slice %arg12[%add3A_8, %dma_wait3A] : memref<10112x128xf32, #tpu.memory_space<vmem_shared>> -> memref<128x128xf32, #tpu.memory_space<vmem_shared>>
      %dma_wait3A_43 = arith.constant 0 : i32
      %dma_wait3A_44 = tpu.memref_slice %arg12[%add3A_8, %dma_wait3A_43] : memref<10112x128xf32, #tpu.memory_space<vmem_shared>> -> memref<128x128xf32, #tpu.memory_space<vmem_shared>>
      tpu.wait_dma2 semaphore(%run_scoped3A : memref<!tpu.dma_semaphore, #tpu.memory_space<semaphore_mem>>) src(%arg11 : memref<128x128xf32, #tpu.memory_space<vmem>>) dst(%dma_wait3A_44 : memref<128x128xf32, #tpu.memory_space<vmem_shared>>)
      tpu.yield
    }) : () -> ()
    %add3A_9 = arith.constant 256 : i32
    %add3A_10 = arith.addi %mul3A_2, %add3A_9 : i32
    "tpu.region"() ({
      %run_scoped3A = tpu.sem_alloc : memref<!tpu.dma_semaphore, #tpu.memory_space<semaphore_mem>>
      %dma_start3A = arith.constant 0 : i32
      %dma_start3A_39 = tpu.memref_slice %arg12[%add3A_10, %dma_start3A] : memref<10112x128xf32, #tpu.memory_space<vmem_shared>> -> memref<128x128xf32, #tpu.memory_space<vmem_shared>>
      %dma_start3A_40 = arith.constant 0 : i32
      %dma_start3A_41 = tpu.memref_slice %arg12[%add3A_10, %dma_start3A_40] : memref<10112x128xf32, #tpu.memory_space<vmem_shared>> -> memref<128x128xf32, #tpu.memory_space<vmem_shared>>
      tpu.enqueue_dma source(%arg11 : memref<128x128xf32, #tpu.memory_space<vmem>>) target(%dma_start3A_41 : memref<128x128xf32, #tpu.memory_space<vmem_shared>>) target_semaphore(%run_scoped3A : memref<!tpu.dma_semaphore, #tpu.memory_space<semaphore_mem>>)
      %dma_wait3A = arith.constant 0 : i32
      %dma_wait3A_42 = tpu.memref_slice %arg12[%add3A_10, %dma_wait3A] : memref<10112x128xf32, #tpu.memory_space<vmem_shared>> -> memref<128x128xf32, #tpu.memory_space<vmem_shared>>
      %dma_wait3A_43 = arith.constant 0 : i32
      %dma_wait3A_44 = tpu.memref_slice %arg12[%add3A_10, %dma_wait3A_43] : memref<10112x128xf32, #tpu.memory_space<vmem_shared>> -> memref<128x128xf32, #tpu.memory_space<vmem_shared>>
      tpu.wait_dma2 semaphore(%run_scoped3A : memref<!tpu.dma_semaphore, #tpu.memory_space<semaphore_mem>>) src(%arg11 : memref<128x128xf32, #tpu.memory_space<vmem>>) dst(%dma_wait3A_44 : memref<128x128xf32, #tpu.memory_space<vmem_shared>>)
      tpu.yield
    }) : () -> ()
    %add3A_11 = arith.constant 384 : i32
    %add3A_12 = arith.addi %mul3A_2, %add3A_11 : i32
    "tpu.region"() ({
      %run_scoped3A = tpu.sem_alloc : memref<!tpu.dma_semaphore, #tpu.memory_space<semaphore_mem>>
      %dma_start3A = arith.constant 0 : i32
      %dma_start3A_39 = tpu.memref_slice %arg12[%add3A_12, %dma_start3A] : memref<10112x128xf32, #tpu.memory_space<vmem_shared>> -> memref<128x128xf32, #tpu.memory_space<vmem_shared>>
      %dma_start3A_40 = arith.constant 0 : i32
      %dma_start3A_41 = tpu.memref_slice %arg12[%add3A_12, %dma_start3A_40] : memref<10112x128xf32, #tpu.memory_space<vmem_shared>> -> memref<128x128xf32, #tpu.memory_space<vmem_shared>>
      tpu.enqueue_dma source(%arg11 : memref<128x128xf32, #tpu.memory_space<vmem>>) target(%dma_start3A_41 : memref<128x128xf32, #tpu.memory_space<vmem_shared>>) target_semaphore(%run_scoped3A : memref<!tpu.dma_semaphore, #tpu.memory_space<semaphore_mem>>)
      %dma_wait3A = arith.constant 0 : i32
      %dma_wait3A_42 = tpu.memref_slice %arg12[%add3A_12, %dma_wait3A] : memref<10112x128xf32, #tpu.memory_space<vmem_shared>> -> memref<128x128xf32, #tpu.memory_space<vmem_shared>>
      %dma_wait3A_43 = arith.constant 0 : i32
      %dma_wait3A_44 = tpu.memref_slice %arg12[%add3A_12, %dma_wait3A_43] : memref<10112x128xf32, #tpu.memory_space<vmem_shared>> -> memref<128x128xf32, #tpu.memory_space<vmem_shared>>
      tpu.wait_dma2 semaphore(%run_scoped3A : memref<!tpu.dma_semaphore, #tpu.memory_space<semaphore_mem>>) src(%arg11 : memref<128x128xf32, #tpu.memory_space<vmem>>) dst(%dma_wait3A_44 : memref<128x128xf32, #tpu.memory_space<vmem_shared>>)
      tpu.yield
    }) : () -> ()
    %add3A_13 = arith.constant 512 : i32
    %add3A_14 = arith.addi %mul3A_2, %add3A_13 : i32
    "tpu.region"() ({
      %run_scoped3A = tpu.sem_alloc : memref<!tpu.dma_semaphore, #tpu.memory_space<semaphore_mem>>
      %dma_start3A = arith.constant 0 : i32
      %dma_start3A_39 = arith.constant 0 : i32
      %dma_start3A_40 = tpu.memref_slice %arg11[%dma_start3A, %dma_start3A_39] : memref<128x128xf32, #tpu.memory_space<vmem>> -> memref<120x128xf32, #tpu.memory_space<vmem>>
      %dma_start3A_41 = arith.constant 0 : i32
      %dma_start3A_42 = tpu.memref_slice %arg12[%add3A_14, %dma_start3A_41] : memref<10112x128xf32, #tpu.memory_space<vmem_shared>> -> memref<120x128xf32, #tpu.memory_space<vmem_shared>>
      %dma_start3A_43 = arith.constant 0 : i32
      %dma_start3A_44 = tpu.memref_slice %arg12[%add3A_14, %dma_start3A_43] : memref<10112x128xf32, #tpu.memory_space<vmem_shared>> -> memref<120x128xf32, #tpu.memory_space<vmem_shared>>
      %dma_start3A_45 = arith.constant 0 : i32
      %dma_start3A_46 = arith.constant 0 : i32
      %dma_start3A_47 = tpu.memref_slice %arg11[%dma_start3A_45, %dma_start3A_46] : memref<128x128xf32, #tpu.memory_space<vmem>> -> memref<120x128xf32, #tpu.memory_space<vmem>>
      tpu.enqueue_dma source(%dma_start3A_47 : memref<120x128xf32, #tpu.memory_space<vmem>>) target(%dma_start3A_44 : memref<120x128xf32, #tpu.memory_space<vmem_shared>>) target_semaphore(%run_scoped3A : memref<!tpu.dma_semaphore, #tpu.memory_space<semaphore_mem>>)
      %dma_wait3A = arith.constant 0 : i32
      %dma_wait3A_48 = arith.constant 0 : i32
      %dma_wait3A_49 = tpu.memref_slice %arg11[%dma_wait3A, %dma_wait3A_48] : memref<128x128xf32, #tpu.memory_space<vmem>> -> memref<120x128xf32, #tpu.memory_space<vmem>>
      %dma_wait3A_50 = arith.constant 0 : i32
      %dma_wait3A_51 = tpu.memref_slice %arg12[%add3A_14, %dma_wait3A_50] : memref<10112x128xf32, #tpu.memory_space<vmem_shared>> -> memref<120x128xf32, #tpu.memory_space<vmem_shared>>
      %dma_wait3A_52 = arith.constant 0 : i32
      %dma_wait3A_53 = tpu.memref_slice %arg12[%add3A_14, %dma_wait3A_52] : memref<10112x128xf32, #tpu.memory_space<vmem_shared>> -> memref<120x128xf32, #tpu.memory_space<vmem_shared>>
      %dma_wait3A_54 = arith.constant 0 : i32
      %dma_wait3A_55 = arith.constant 0 : i32
      %dma_wait3A_56 = tpu.memref_slice %arg11[%dma_wait3A_54, %dma_wait3A_55] : memref<128x128xf32, #tpu.memory_space<vmem>> -> memref<120x128xf32, #tpu.memory_space<vmem>>
      tpu.wait_dma2 semaphore(%run_scoped3A : memref<!tpu.dma_semaphore, #tpu.memory_space<semaphore_mem>>) src(%dma_wait3A_56 : memref<120x128xf32, #tpu.memory_space<vmem>>) dst(%dma_wait3A_53 : memref<120x128xf32, #tpu.memory_space<vmem_shared>>)
      tpu.yield
    }) : () -> ()
    %barrier3A = arith.constant 0 : index
    tpu.barrier barrier_id(%barrier3A)
    %scan3A = arith.constant 0 : i32
    %scan3A_15 = arith.constant 0 : i32
    %scan3A_16 = arith.constant 80 : i32
    %scan3A_17 = arith.addi %scan3A_15, %scan3A_16 : i32
    %scan3A_18 = arith.constant 1 : i32
    scf.for %scan3A_39 = %scan3A_15 to %scan3A_17 step %scan3A_18  : i32 {
      "tpu.region"() ({
        %run_scoped3A = tpu.sem_alloc : memref<!tpu.dma_semaphore, #tpu.memory_space<semaphore_mem>>
        %dma_start3A = arith.constant 0 : i32
        %dma_start3A_40 = tpu.memref_slice %arg9[%scan3A_39, %dma_start3A] : memref<80x128xi32, #tpu.memory_space<vmem>> -> memref<1x128xi32, #tpu.memory_space<vmem>>
        %dma_start3A_41 = tpu.memref_squeeze %dma_start3A_40 : memref<1x128xi32, #tpu.memory_space<vmem>> -> memref<128xi32, #tpu.memory_space<vmem>>
        %dma_start3A_42 = arith.constant 0 : i32
        %dma_start3A_43 = arith.constant 0 : i32
        %dma_start3A_44 = tpu.memref_slice %arg2[%dma_start3A_42, %dma_start3A_43] : memref<10000x128xf32, #tpu.memory_space<hbm>> -> memref<10000x128xf32, #tpu.memory_space<hbm>>
        tpu.enqueue_indirect_dma source(%dma_start3A_44 : memref<10000x128xf32, #tpu.memory_space<hbm>>) target(%arg11 : memref<128x128xf32, #tpu.memory_space<vmem>>) offsets(%dma_start3A_41 : memref<128xi32, #tpu.memory_space<vmem>>) semaphore(%run_scoped3A : memref<!tpu.dma_semaphore, #tpu.memory_space<semaphore_mem>>)
        %dma_wait3A = arith.constant 0 : i32
        %dma_wait3A_45 = tpu.memref_slice %arg9[%scan3A_39, %dma_wait3A] : memref<80x128xi32, #tpu.memory_space<vmem>> -> memref<1x128xi32, #tpu.memory_space<vmem>>
        %dma_wait3A_46 = tpu.memref_squeeze %dma_wait3A_45 : memref<1x128xi32, #tpu.memory_space<vmem>> -> memref<128xi32, #tpu.memory_space<vmem>>
        %dma_wait3A_47 = arith.constant 0 : i32
        %dma_wait3A_48 = arith.constant 0 : i32
        %dma_wait3A_49 = tpu.memref_slice %arg2[%dma_wait3A_47, %dma_wait3A_48] : memref<10000x128xf32, #tpu.memory_space<hbm>> -> memref<10000x128xf32, #tpu.memory_space<hbm>>
        tpu.wait_indirect_dma semaphore(%run_scoped3A : memref<!tpu.dma_semaphore, #tpu.memory_space<semaphore_mem>>) src(%dma_wait3A_49 : memref<10000x128xf32, #tpu.memory_space<hbm>>) dst(%arg11 : memref<128x128xf32, #tpu.memory_space<vmem>>)
        tpu.yield
      }) : () -> ()
      "tpu.region"() ({
        %run_scoped3A = tpu.sem_alloc : memref<!tpu.dma_semaphore, #tpu.memory_space<semaphore_mem>>
        %dma_start3A = arith.constant 0 : i32
        %dma_start3A_40 = tpu.memref_slice %arg10[%scan3A_39, %dma_start3A] : memref<80x128xi32, #tpu.memory_space<vmem>> -> memref<1x128xi32, #tpu.memory_space<vmem>>
        %dma_start3A_41 = tpu.memref_squeeze %dma_start3A_40 : memref<1x128xi32, #tpu.memory_space<vmem>> -> memref<128xi32, #tpu.memory_space<vmem>>
        %dma_start3A_42 = arith.constant 0 : i32
        %dma_start3A_43 = arith.constant 0 : i32
        %dma_start3A_44 = tpu.memref_slice %arg12[%dma_start3A_42, %dma_start3A_43] : memref<10112x128xf32, #tpu.memory_space<vmem_shared>> -> memref<10112x128xf32, #tpu.memory_space<vmem_shared>>
        tpu.enqueue_indirect_dma source(%arg11 : memref<128x128xf32, #tpu.memory_space<vmem>>) target(%dma_start3A_44 : memref<10112x128xf32, #tpu.memory_space<vmem_shared>>) offsets(%dma_start3A_41 : memref<128xi32, #tpu.memory_space<vmem>>) semaphore(%run_scoped3A : memref<!tpu.dma_semaphore, #tpu.memory_space<semaphore_mem>>) {add = true}
        %dma_wait3A = arith.constant 0 : i32
        %dma_wait3A_45 = tpu.memref_slice %arg10[%scan3A_39, %dma_wait3A] : memref<80x128xi32, #tpu.memory_space<vmem>> -> memref<1x128xi32, #tpu.memory_space<vmem>>
        %dma_wait3A_46 = tpu.memref_squeeze %dma_wait3A_45 : memref<1x128xi32, #tpu.memory_space<vmem>> -> memref<128xi32, #tpu.memory_space<vmem>>
        %dma_wait3A_47 = arith.constant 0 : i32
        %dma_wait3A_48 = arith.constant 0 : i32
        %dma_wait3A_49 = tpu.memref_slice %arg12[%dma_wait3A_47, %dma_wait3A_48] : memref<10112x128xf32, #tpu.memory_space<vmem_shared>> -> memref<10112x128xf32, #tpu.memory_space<vmem_shared>>
        tpu.wait_indirect_dma semaphore(%run_scoped3A : memref<!tpu.dma_semaphore, #tpu.memory_space<semaphore_mem>>) src(%arg11 : memref<128x128xf32, #tpu.memory_space<vmem>>) dst(%dma_wait3A_49 : memref<10112x128xf32, #tpu.memory_space<vmem_shared>>)
        tpu.yield
      }) : () -> ()
    }
    %scan3A_19 = arith.constant 80 : i32
    %barrier3A_20 = arith.constant 0 : index
    tpu.barrier barrier_id(%barrier3A_20)
    "tpu.region"() ({
      %run_scoped3A = tpu.sem_alloc : memref<!tpu.dma_semaphore, #tpu.memory_space<semaphore_mem>>
      %dma_start3A = arith.constant 0 : i32
      %dma_start3A_39 = tpu.memref_slice %arg7[%arg0, %mul3A_2, %dma_start3A] : memref<2x10112x128xf32, #tpu.memory_space<hbm>> -> memref<1x632x128xf32, #tpu.memory_space<hbm>>
      %dma_start3A_40 = tpu.memref_squeeze %dma_start3A_39 : memref<1x632x128xf32, #tpu.memory_space<hbm>> -> memref<632x128xf32, #tpu.memory_space<hbm>>
      %dma_start3A_41 = arith.constant 0 : i32
      %dma_start3A_42 = tpu.memref_slice %arg12[%mul3A_2, %dma_start3A_41] : memref<10112x128xf32, #tpu.memory_space<vmem_shared>> -> memref<632x128xf32, #tpu.memory_space<vmem_shared>>
      tpu.enqueue_dma source(%dma_start3A_42 : memref<632x128xf32, #tpu.memory_space<vmem_shared>>) target(%dma_start3A_40 : memref<632x128xf32, #tpu.memory_space<hbm>>) target_semaphore(%run_scoped3A : memref<!tpu.dma_semaphore, #tpu.memory_space<semaphore_mem>>)
      %dma_wait3A = arith.constant 0 : i32
      %dma_wait3A_43 = tpu.memref_slice %arg7[%arg0, %mul3A_2, %dma_wait3A] : memref<2x10112x128xf32, #tpu.memory_space<hbm>> -> memref<1x632x128xf32, #tpu.memory_space<hbm>>
      %dma_wait3A_44 = tpu.memref_squeeze %dma_wait3A_43 : memref<1x632x128xf32, #tpu.memory_space<hbm>> -> memref<632x128xf32, #tpu.memory_space<hbm>>
      %dma_wait3A_45 = arith.constant 0 : i32
      %dma_wait3A_46 = tpu.memref_slice %arg12[%mul3A_2, %dma_wait3A_45] : memref<10112x128xf32, #tpu.memory_space<vmem_shared>> -> memref<632x128xf32, #tpu.memory_space<vmem_shared>>
      tpu.wait_dma2 semaphore(%run_scoped3A : memref<!tpu.dma_semaphore, #tpu.memory_space<semaphore_mem>>) src(%dma_wait3A_46 : memref<632x128xf32, #tpu.memory_space<vmem_shared>>) dst(%dma_wait3A_44 : memref<632x128xf32, #tpu.memory_space<hbm>>)
      tpu.yield
    }) : () -> ()
    "tpu.region"() ({
      %run_scoped3A = tpu.sem_alloc : memref<!tpu.dma_semaphore, #tpu.memory_space<semaphore_mem>>
      tpu.enqueue_dma source(%arg5 : memref<128x128xf32, #tpu.memory_space<hbm>>) target(%arg11 : memref<128x128xf32, #tpu.memory_space<vmem>>) target_semaphore(%run_scoped3A : memref<!tpu.dma_semaphore, #tpu.memory_space<semaphore_mem>>)
      tpu.wait_dma2 semaphore(%run_scoped3A : memref<!tpu.dma_semaphore, #tpu.memory_space<semaphore_mem>>) src(%arg5 : memref<128x128xf32, #tpu.memory_space<hbm>>) dst(%arg11 : memref<128x128xf32, #tpu.memory_space<vmem>>)
      tpu.yield
    }) : () -> ()
    %add3A_21 = arith.constant 0 : i32
    %add3A_22 = arith.addi %mul3A_2, %add3A_21 : i32
    "tpu.region"() ({
      %run_scoped3A = tpu.sem_alloc : memref<!tpu.dma_semaphore, #tpu.memory_space<semaphore_mem>>
      %dma_start3A = arith.constant 0 : i32
      %dma_start3A_39 = tpu.memref_slice %arg12[%add3A_22, %dma_start3A] : memref<10112x128xf32, #tpu.memory_space<vmem_shared>> -> memref<128x128xf32, #tpu.memory_space<vmem_shared>>
      %dma_start3A_40 = arith.constant 0 : i32
      %dma_start3A_41 = tpu.memref_slice %arg12[%add3A_22, %dma_start3A_40] : memref<10112x128xf32, #tpu.memory_space<vmem_shared>> -> memref<128x128xf32, #tpu.memory_space<vmem_shared>>
      tpu.enqueue_dma source(%arg11 : memref<128x128xf32, #tpu.memory_space<vmem>>) target(%dma_start3A_41 : memref<128x128xf32, #tpu.memory_space<vmem_shared>>) target_semaphore(%run_scoped3A : memref<!tpu.dma_semaphore, #tpu.memory_space<semaphore_mem>>)
      %dma_wait3A = arith.constant 0 : i32
      %dma_wait3A_42 = tpu.memref_slice %arg12[%add3A_22, %dma_wait3A] : memref<10112x128xf32, #tpu.memory_space<vmem_shared>> -> memref<128x128xf32, #tpu.memory_space<vmem_shared>>
      %dma_wait3A_43 = arith.constant 0 : i32
      %dma_wait3A_44 = tpu.memref_slice %arg12[%add3A_22, %dma_wait3A_43] : memref<10112x128xf32, #tpu.memory_space<vmem_shared>> -> memref<128x128xf32, #tpu.memory_space<vmem_shared>>
      tpu.wait_dma2 semaphore(%run_scoped3A : memref<!tpu.dma_semaphore, #tpu.memory_space<semaphore_mem>>) src(%arg11 : memref<128x128xf32, #tpu.memory_space<vmem>>) dst(%dma_wait3A_44 : memref<128x128xf32, #tpu.memory_space<vmem_shared>>)
      tpu.yield
    }) : () -> ()
    %add3A_23 = arith.constant 128 : i32
    %add3A_24 = arith.addi %mul3A_2, %add3A_23 : i32
    "tpu.region"() ({
      %run_scoped3A = tpu.sem_alloc : memref<!tpu.dma_semaphore, #tpu.memory_space<semaphore_mem>>
      %dma_start3A = arith.constant 0 : i32
      %dma_start3A_39 = tpu.memref_slice %arg12[%add3A_24, %dma_start3A] : memref<10112x128xf32, #tpu.memory_space<vmem_shared>> -> memref<128x128xf32, #tpu.memory_space<vmem_shared>>
      %dma_start3A_40 = arith.constant 0 : i32
      %dma_start3A_41 = tpu.memref_slice %arg12[%add3A_24, %dma_start3A_40] : memref<10112x128xf32, #tpu.memory_space<vmem_shared>> -> memref<128x128xf32, #tpu.memory_space<vmem_shared>>
      tpu.enqueue_dma source(%arg11 : memref<128x128xf32, #tpu.memory_space<vmem>>) target(%dma_start3A_41 : memref<128x128xf32, #tpu.memory_space<vmem_shared>>) target_semaphore(%run_scoped3A : memref<!tpu.dma_semaphore, #tpu.memory_space<semaphore_mem>>)
      %dma_wait3A = arith.constant 0 : i32
      %dma_wait3A_42 = tpu.memref_slice %arg12[%add3A_24, %dma_wait3A] : memref<10112x128xf32, #tpu.memory_space<vmem_shared>> -> memref<128x128xf32, #tpu.memory_space<vmem_shared>>
      %dma_wait3A_43 = arith.constant 0 : i32
      %dma_wait3A_44 = tpu.memref_slice %arg12[%add3A_24, %dma_wait3A_43] : memref<10112x128xf32, #tpu.memory_space<vmem_shared>> -> memref<128x128xf32, #tpu.memory_space<vmem_shared>>
      tpu.wait_dma2 semaphore(%run_scoped3A : memref<!tpu.dma_semaphore, #tpu.memory_space<semaphore_mem>>) src(%arg11 : memref<128x128xf32, #tpu.memory_space<vmem>>) dst(%dma_wait3A_44 : memref<128x128xf32, #tpu.memory_space<vmem_shared>>)
      tpu.yield
    }) : () -> ()
    %add3A_25 = arith.constant 256 : i32
    %add3A_26 = arith.addi %mul3A_2, %add3A_25 : i32
    "tpu.region"() ({
      %run_scoped3A = tpu.sem_alloc : memref<!tpu.dma_semaphore, #tpu.memory_space<semaphore_mem>>
      %dma_start3A = arith.constant 0 : i32
      %dma_start3A_39 = tpu.memref_slice %arg12[%add3A_26, %dma_start3A] : memref<10112x128xf32, #tpu.memory_space<vmem_shared>> -> memref<128x128xf32, #tpu.memory_space<vmem_shared>>
      %dma_start3A_40 = arith.constant 0 : i32
      %dma_start3A_41 = tpu.memref_slice %arg12[%add3A_26, %dma_start3A_40] : memref<10112x128xf32, #tpu.memory_space<vmem_shared>> -> memref<128x128xf32, #tpu.memory_space<vmem_shared>>
      tpu.enqueue_dma source(%arg11 : memref<128x128xf32, #tpu.memory_space<vmem>>) target(%dma_start3A_41 : memref<128x128xf32, #tpu.memory_space<vmem_shared>>) target_semaphore(%run_scoped3A : memref<!tpu.dma_semaphore, #tpu.memory_space<semaphore_mem>>)
      %dma_wait3A = arith.constant 0 : i32
      %dma_wait3A_42 = tpu.memref_slice %arg12[%add3A_26, %dma_wait3A] : memref<10112x128xf32, #tpu.memory_space<vmem_shared>> -> memref<128x128xf32, #tpu.memory_space<vmem_shared>>
      %dma_wait3A_43 = arith.constant 0 : i32
      %dma_wait3A_44 = tpu.memref_slice %arg12[%add3A_26, %dma_wait3A_43] : memref<10112x128xf32, #tpu.memory_space<vmem_shared>> -> memref<128x128xf32, #tpu.memory_space<vmem_shared>>
      tpu.wait_dma2 semaphore(%run_scoped3A : memref<!tpu.dma_semaphore, #tpu.memory_space<semaphore_mem>>) src(%arg11 : memref<128x128xf32, #tpu.memory_space<vmem>>) dst(%dma_wait3A_44 : memref<128x128xf32, #tpu.memory_space<vmem_shared>>)
      tpu.yield
    }) : () -> ()
    %add3A_27 = arith.constant 384 : i32
    %add3A_28 = arith.addi %mul3A_2, %add3A_27 : i32
    "tpu.region"() ({
      %run_scoped3A = tpu.sem_alloc : memref<!tpu.dma_semaphore, #tpu.memory_space<semaphore_mem>>
      %dma_start3A = arith.constant 0 : i32
      %dma_start3A_39 = tpu.memref_slice %arg12[%add3A_28, %dma_start3A] : memref<10112x128xf32, #tpu.memory_space<vmem_shared>> -> memref<128x128xf32, #tpu.memory_space<vmem_shared>>
      %dma_start3A_40 = arith.constant 0 : i32
      %dma_start3A_41 = tpu.memref_slice %arg12[%add3A_28, %dma_start3A_40] : memref<10112x128xf32, #tpu.memory_space<vmem_shared>> -> memref<128x128xf32, #tpu.memory_space<vmem_shared>>
      tpu.enqueue_dma source(%arg11 : memref<128x128xf32, #tpu.memory_space<vmem>>) target(%dma_start3A_41 : memref<128x128xf32, #tpu.memory_space<vmem_shared>>) target_semaphore(%run_scoped3A : memref<!tpu.dma_semaphore, #tpu.memory_space<semaphore_mem>>)
      %dma_wait3A = arith.constant 0 : i32
      %dma_wait3A_42 = tpu.memref_slice %arg12[%add3A_28, %dma_wait3A] : memref<10112x128xf32, #tpu.memory_space<vmem_shared>> -> memref<128x128xf32, #tpu.memory_space<vmem_shared>>
      %dma_wait3A_43 = arith.constant 0 : i32
      %dma_wait3A_44 = tpu.memref_slice %arg12[%add3A_28, %dma_wait3A_43] : memref<10112x128xf32, #tpu.memory_space<vmem_shared>> -> memref<128x128xf32, #tpu.memory_space<vmem_shared>>
      tpu.wait_dma2 semaphore(%run_scoped3A : memref<!tpu.dma_semaphore, #tpu.memory_space<semaphore_mem>>) src(%arg11 : memref<128x128xf32, #tpu.memory_space<vmem>>) dst(%dma_wait3A_44 : memref<128x128xf32, #tpu.memory_space<vmem_shared>>)
      tpu.yield
    }) : () -> ()
    %add3A_29 = arith.constant 512 : i32
    %add3A_30 = arith.addi %mul3A_2, %add3A_29 : i32
    "tpu.region"() ({
      %run_scoped3A = tpu.sem_alloc : memref<!tpu.dma_semaphore, #tpu.memory_space<semaphore_mem>>
      %dma_start3A = arith.constant 0 : i32
      %dma_start3A_39 = arith.constant 0 : i32
      %dma_start3A_40 = tpu.memref_slice %arg11[%dma_start3A, %dma_start3A_39] : memref<128x128xf32, #tpu.memory_space<vmem>> -> memref<120x128xf32, #tpu.memory_space<vmem>>
      %dma_start3A_41 = arith.constant 0 : i32
      %dma_start3A_42 = tpu.memref_slice %arg12[%add3A_30, %dma_start3A_41] : memref<10112x128xf32, #tpu.memory_space<vmem_shared>> -> memref<120x128xf32, #tpu.memory_space<vmem_shared>>
      %dma_start3A_43 = arith.constant 0 : i32
      %dma_start3A_44 = tpu.memref_slice %arg12[%add3A_30, %dma_start3A_43] : memref<10112x128xf32, #tpu.memory_space<vmem_shared>> -> memref<120x128xf32, #tpu.memory_space<vmem_shared>>
      %dma_start3A_45 = arith.constant 0 : i32
      %dma_start3A_46 = arith.constant 0 : i32
      %dma_start3A_47 = tpu.memref_slice %arg11[%dma_start3A_45, %dma_start3A_46] : memref<128x128xf32, #tpu.memory_space<vmem>> -> memref<120x128xf32, #tpu.memory_space<vmem>>
      tpu.enqueue_dma source(%dma_start3A_47 : memref<120x128xf32, #tpu.memory_space<vmem>>) target(%dma_start3A_44 : memref<120x128xf32, #tpu.memory_space<vmem_shared>>) target_semaphore(%run_scoped3A : memref<!tpu.dma_semaphore, #tpu.memory_space<semaphore_mem>>)
      %dma_wait3A = arith.constant 0 : i32
      %dma_wait3A_48 = arith.constant 0 : i32
      %dma_wait3A_49 = tpu.memref_slice %arg11[%dma_wait3A, %dma_wait3A_48] : memref<128x128xf32, #tpu.memory_space<vmem>> -> memref<120x128xf32, #tpu.memory_space<vmem>>
      %dma_wait3A_50 = arith.constant 0 : i32
      %dma_wait3A_51 = tpu.memref_slice %arg12[%add3A_30, %dma_wait3A_50] : memref<10112x128xf32, #tpu.memory_space<vmem_shared>> -> memref<120x128xf32, #tpu.memory_space<vmem_shared>>
      %dma_wait3A_52 = arith.constant 0 : i32
      %dma_wait3A_53 = tpu.memref_slice %arg12[%add3A_30, %dma_wait3A_52] : memref<10112x128xf32, #tpu.memory_space<vmem_shared>> -> memref<120x128xf32, #tpu.memory_space<vmem_shared>>
      %dma_wait3A_54 = arith.constant 0 : i32
      %dma_wait3A_55 = arith.constant 0 : i32
      %dma_wait3A_56 = tpu.memref_slice %arg11[%dma_wait3A_54, %dma_wait3A_55] : memref<128x128xf32, #tpu.memory_space<vmem>> -> memref<120x128xf32, #tpu.memory_space<vmem>>
      tpu.wait_dma2 semaphore(%run_scoped3A : memref<!tpu.dma_semaphore, #tpu.memory_space<semaphore_mem>>) src(%dma_wait3A_56 : memref<120x128xf32, #tpu.memory_space<vmem>>) dst(%dma_wait3A_53 : memref<120x128xf32, #tpu.memory_space<vmem_shared>>)
      tpu.yield
    }) : () -> ()
    "tpu.region"() ({
      %run_scoped3A = tpu.sem_alloc : memref<!tpu.dma_semaphore, #tpu.memory_space<semaphore_mem>>
      tpu.enqueue_dma source(%arg6 : memref<128x128xf32, #tpu.memory_space<hbm>>) target(%arg11 : memref<128x128xf32, #tpu.memory_space<vmem>>) target_semaphore(%run_scoped3A : memref<!tpu.dma_semaphore, #tpu.memory_space<semaphore_mem>>)
      tpu.wait_dma2 semaphore(%run_scoped3A : memref<!tpu.dma_semaphore, #tpu.memory_space<semaphore_mem>>) src(%arg6 : memref<128x128xf32, #tpu.memory_space<hbm>>) dst(%arg11 : memref<128x128xf32, #tpu.memory_space<vmem>>)
      tpu.yield
    }) : () -> ()
    %barrier3A_31 = arith.constant 0 : index
    tpu.barrier barrier_id(%barrier3A_31)
    %scan3A_32 = arith.constant 0 : i32
    %scan3A_33 = arith.constant 0 : i32
    %scan3A_34 = arith.constant 80 : i32
    %scan3A_35 = arith.addi %scan3A_33, %scan3A_34 : i32
    %scan3A_36 = arith.constant 1 : i32
    scf.for %scan3A_39 = %scan3A_33 to %scan3A_35 step %scan3A_36  : i32 {
      "tpu.region"() ({
        %run_scoped3A = tpu.sem_alloc : memref<!tpu.dma_semaphore, #tpu.memory_space<semaphore_mem>>
        %dma_start3A = arith.constant 0 : i32
        %dma_start3A_40 = tpu.memref_slice %arg10[%scan3A_39, %dma_start3A] : memref<80x128xi32, #tpu.memory_space<vmem>> -> memref<1x128xi32, #tpu.memory_space<vmem>>
        %dma_start3A_41 = tpu.memref_squeeze %dma_start3A_40 : memref<1x128xi32, #tpu.memory_space<vmem>> -> memref<128xi32, #tpu.memory_space<vmem>>
        %dma_start3A_42 = arith.constant 0 : i32
        %dma_start3A_43 = arith.constant 0 : i32
        %dma_start3A_44 = tpu.memref_slice %arg12[%dma_start3A_42, %dma_start3A_43] : memref<10112x128xf32, #tpu.memory_space<vmem_shared>> -> memref<10112x128xf32, #tpu.memory_space<vmem_shared>>
        tpu.enqueue_indirect_dma source(%arg11 : memref<128x128xf32, #tpu.memory_space<vmem>>) target(%dma_start3A_44 : memref<10112x128xf32, #tpu.memory_space<vmem_shared>>) offsets(%dma_start3A_41 : memref<128xi32, #tpu.memory_space<vmem>>) semaphore(%run_scoped3A : memref<!tpu.dma_semaphore, #tpu.memory_space<semaphore_mem>>) {add = true}
        %dma_wait3A = arith.constant 0 : i32
        %dma_wait3A_45 = tpu.memref_slice %arg10[%scan3A_39, %dma_wait3A] : memref<80x128xi32, #tpu.memory_space<vmem>> -> memref<1x128xi32, #tpu.memory_space<vmem>>
        %dma_wait3A_46 = tpu.memref_squeeze %dma_wait3A_45 : memref<1x128xi32, #tpu.memory_space<vmem>> -> memref<128xi32, #tpu.memory_space<vmem>>
        %dma_wait3A_47 = arith.constant 0 : i32
        %dma_wait3A_48 = arith.constant 0 : i32
        %dma_wait3A_49 = tpu.memref_slice %arg12[%dma_wait3A_47, %dma_wait3A_48] : memref<10112x128xf32, #tpu.memory_space<vmem_shared>> -> memref<10112x128xf32, #tpu.memory_space<vmem_shared>>
        tpu.wait_indirect_dma semaphore(%run_scoped3A : memref<!tpu.dma_semaphore, #tpu.memory_space<semaphore_mem>>) src(%arg11 : memref<128x128xf32, #tpu.memory_space<vmem>>) dst(%dma_wait3A_49 : memref<10112x128xf32, #tpu.memory_space<vmem_shared>>)
        tpu.yield
      }) : () -> ()
    }
    %scan3A_37 = arith.constant 80 : i32
    %barrier3A_38 = arith.constant 0 : index
    tpu.barrier barrier_id(%barrier3A_38)
    "tpu.region"() ({
      %run_scoped3A = tpu.sem_alloc : memref<!tpu.dma_semaphore, #tpu.memory_space<semaphore_mem>>
      %dma_start3A = arith.constant 0 : i32
      %dma_start3A_39 = tpu.memref_slice %arg8[%arg0, %mul3A_2, %dma_start3A] : memref<2x10112x128xf32, #tpu.memory_space<hbm>> -> memref<1x632x128xf32, #tpu.memory_space<hbm>>
      %dma_start3A_40 = tpu.memref_squeeze %dma_start3A_39 : memref<1x632x128xf32, #tpu.memory_space<hbm>> -> memref<632x128xf32, #tpu.memory_space<hbm>>
      %dma_start3A_41 = arith.constant 0 : i32
      %dma_start3A_42 = tpu.memref_slice %arg12[%mul3A_2, %dma_start3A_41] : memref<10112x128xf32, #tpu.memory_space<vmem_shared>> -> memref<632x128xf32, #tpu.memory_space<vmem_shared>>
      tpu.enqueue_dma source(%dma_start3A_42 : memref<632x128xf32, #tpu.memory_space<vmem_shared>>) target(%dma_start3A_40 : memref<632x128xf32, #tpu.memory_space<hbm>>) target_semaphore(%run_scoped3A : memref<!tpu.dma_semaphore, #tpu.memory_space<semaphore_mem>>)
      %dma_wait3A = arith.constant 0 : i32
      %dma_wait3A_43 = tpu.memref_slice %arg8[%arg0, %mul3A_2, %dma_wait3A] : memref<2x10112x128xf32, #tpu.memory_space<hbm>> -> memref<1x632x128xf32, #tpu.memory_space<hbm>>
      %dma_wait3A_44 = tpu.memref_squeeze %dma_wait3A_43 : memref<1x632x128xf32, #tpu.memory_space<hbm>> -> memref<632x128xf32, #tpu.memory_space<hbm>>
      %dma_wait3A_45 = arith.constant 0 : i32
      %dma_wait3A_46 = tpu.memref_slice %arg12[%mul3A_2, %dma_wait3A_45] : memref<10112x128xf32, #tpu.memory_space<vmem_shared>> -> memref<632x128xf32, #tpu.memory_space<vmem_shared>>
      tpu.wait_dma2 semaphore(%run_scoped3A : memref<!tpu.dma_semaphore, #tpu.memory_space<semaphore_mem>>) src(%dma_wait3A_46 : memref<632x128xf32, #tpu.memory_space<vmem_shared>>) dst(%dma_wait3A_44 : memref<632x128xf32, #tpu.memory_space<hbm>>)
      tpu.yield
    }) : () -> ()
    return
  }
}

#map = affine_map<(d0, d1) -> (0, 0)>
#map1 = affine_map<(d0, d1) -> (0, 0, 0)>
module attributes {stable_mosaic.version = 14 : i64} {
  func.func @body(%arg0: i32, %arg1: i32, %arg2: memref<10000x128xf32, #tpu.memory_space<hbm>>, %arg3: memref<2560x128xi32, #tpu.memory_space<hbm>>, %arg4: memref<2560x128xi32, #tpu.memory_space<hbm>>, %arg5: memref<128x128xf32, #tpu.memory_space<hbm>>, %arg6: memref<2x10112x128xf32, #tpu.memory_space<hbm>>, %arg7: memref<80x128xi32, #tpu.memory_space<vmem>>, %arg8: memref<80x128xi32, #tpu.memory_space<vmem>>, %arg9: memref<128x128xf32, #tpu.memory_space<vmem>>, %arg10: memref<10112x128xf32, #tpu.memory_space<vmem_shared>>) attributes {dimension_semantics = [#tpu.dimension_semantics<core_parallel>, #tpu.dimension_semantics<subcore_parallel>], iteration_bounds = array<i64: 2, 16>, scalar_prefetch = 0 : i64, scratch_operands = 4 : i64, tpu.core_type = #tpu.core_type<sc_vector_subcore>, window_params = [{transform_indices = #map}, {transform_indices = #map}, {transform_indices = #map}, {transform_indices = #map}, {transform_indices = #map1}]} {
    %mul3A = arith.constant 16 : i32
    %mul3A_0 = arith.muli %arg0, %mul3A : i32
    %add3A = arith.addi %mul3A_0, %arg1 : i32
    %mul3A_1 = arith.constant 632 : i32
    %mul3A_2 = arith.muli %arg1, %mul3A_1 : i32
    %mul3A_3 = arith.constant 80 : i32
    %mul3A_4 = arith.muli %add3A, %mul3A_3 : i32
    %multiple_of3A = tpu.assume_multiple %mul3A_4, 8 : i32
    "tpu.region"() ({
      %run_scoped3A = tpu.sem_alloc : memref<!tpu.dma_semaphore, #tpu.memory_space<semaphore_mem>>
      %dma_start3A = arith.constant 0 : i32
      %dma_start3A_21 = tpu.memref_slice %arg3[%multiple_of3A, %dma_start3A] : memref<2560x128xi32, #tpu.memory_space<hbm>> -> memref<80x128xi32, #tpu.memory_space<hbm>>
      %dma_start3A_22 = arith.constant 0 : i32
      %dma_start3A_23 = tpu.memref_slice %arg3[%multiple_of3A, %dma_start3A_22] : memref<2560x128xi32, #tpu.memory_space<hbm>> -> memref<80x128xi32, #tpu.memory_space<hbm>>
      tpu.enqueue_dma source(%dma_start3A_23 : memref<80x128xi32, #tpu.memory_space<hbm>>) target(%arg7 : memref<80x128xi32, #tpu.memory_space<vmem>>) target_semaphore(%run_scoped3A : memref<!tpu.dma_semaphore, #tpu.memory_space<semaphore_mem>>)
      %dma_wait3A = arith.constant 0 : i32
      %dma_wait3A_24 = tpu.memref_slice %arg3[%multiple_of3A, %dma_wait3A] : memref<2560x128xi32, #tpu.memory_space<hbm>> -> memref<80x128xi32, #tpu.memory_space<hbm>>
      %dma_wait3A_25 = arith.constant 0 : i32
      %dma_wait3A_26 = tpu.memref_slice %arg3[%multiple_of3A, %dma_wait3A_25] : memref<2560x128xi32, #tpu.memory_space<hbm>> -> memref<80x128xi32, #tpu.memory_space<hbm>>
      tpu.wait_dma2 semaphore(%run_scoped3A : memref<!tpu.dma_semaphore, #tpu.memory_space<semaphore_mem>>) src(%dma_wait3A_26 : memref<80x128xi32, #tpu.memory_space<hbm>>) dst(%arg7 : memref<80x128xi32, #tpu.memory_space<vmem>>)
      tpu.yield
    }) : () -> ()
    "tpu.region"() ({
      %run_scoped3A = tpu.sem_alloc : memref<!tpu.dma_semaphore, #tpu.memory_space<semaphore_mem>>
      %dma_start3A = arith.constant 0 : i32
      %dma_start3A_21 = tpu.memref_slice %arg4[%multiple_of3A, %dma_start3A] : memref<2560x128xi32, #tpu.memory_space<hbm>> -> memref<80x128xi32, #tpu.memory_space<hbm>>
      %dma_start3A_22 = arith.constant 0 : i32
      %dma_start3A_23 = tpu.memref_slice %arg4[%multiple_of3A, %dma_start3A_22] : memref<2560x128xi32, #tpu.memory_space<hbm>> -> memref<80x128xi32, #tpu.memory_space<hbm>>
      tpu.enqueue_dma source(%dma_start3A_23 : memref<80x128xi32, #tpu.memory_space<hbm>>) target(%arg8 : memref<80x128xi32, #tpu.memory_space<vmem>>) target_semaphore(%run_scoped3A : memref<!tpu.dma_semaphore, #tpu.memory_space<semaphore_mem>>)
      %dma_wait3A = arith.constant 0 : i32
      %dma_wait3A_24 = tpu.memref_slice %arg4[%multiple_of3A, %dma_wait3A] : memref<2560x128xi32, #tpu.memory_space<hbm>> -> memref<80x128xi32, #tpu.memory_space<hbm>>
      %dma_wait3A_25 = arith.constant 0 : i32
      %dma_wait3A_26 = tpu.memref_slice %arg4[%multiple_of3A, %dma_wait3A_25] : memref<2560x128xi32, #tpu.memory_space<hbm>> -> memref<80x128xi32, #tpu.memory_space<hbm>>
      tpu.wait_dma2 semaphore(%run_scoped3A : memref<!tpu.dma_semaphore, #tpu.memory_space<semaphore_mem>>) src(%dma_wait3A_26 : memref<80x128xi32, #tpu.memory_space<hbm>>) dst(%arg8 : memref<80x128xi32, #tpu.memory_space<vmem>>)
      tpu.yield
    }) : () -> ()
    "tpu.region"() ({
      %run_scoped3A = tpu.sem_alloc : memref<!tpu.dma_semaphore, #tpu.memory_space<semaphore_mem>>
      tpu.enqueue_dma source(%arg5 : memref<128x128xf32, #tpu.memory_space<hbm>>) target(%arg9 : memref<128x128xf32, #tpu.memory_space<vmem>>) target_semaphore(%run_scoped3A : memref<!tpu.dma_semaphore, #tpu.memory_space<semaphore_mem>>)
      tpu.wait_dma2 semaphore(%run_scoped3A : memref<!tpu.dma_semaphore, #tpu.memory_space<semaphore_mem>>) src(%arg5 : memref<128x128xf32, #tpu.memory_space<hbm>>) dst(%arg9 : memref<128x128xf32, #tpu.memory_space<vmem>>)
      tpu.yield
    }) : () -> ()
    %add3A_5 = arith.constant 0 : i32
    %add3A_6 = arith.addi %mul3A_2, %add3A_5 : i32
    "tpu.region"() ({
      %run_scoped3A = tpu.sem_alloc : memref<!tpu.dma_semaphore, #tpu.memory_space<semaphore_mem>>
      %dma_start3A = arith.constant 0 : i32
      %dma_start3A_21 = tpu.memref_slice %arg10[%add3A_6, %dma_start3A] : memref<10112x128xf32, #tpu.memory_space<vmem_shared>> -> memref<128x128xf32, #tpu.memory_space<vmem_shared>>
      %dma_start3A_22 = arith.constant 0 : i32
      %dma_start3A_23 = tpu.memref_slice %arg10[%add3A_6, %dma_start3A_22] : memref<10112x128xf32, #tpu.memory_space<vmem_shared>> -> memref<128x128xf32, #tpu.memory_space<vmem_shared>>
      tpu.enqueue_dma source(%arg9 : memref<128x128xf32, #tpu.memory_space<vmem>>) target(%dma_start3A_23 : memref<128x128xf32, #tpu.memory_space<vmem_shared>>) target_semaphore(%run_scoped3A : memref<!tpu.dma_semaphore, #tpu.memory_space<semaphore_mem>>)
      %dma_wait3A = arith.constant 0 : i32
      %dma_wait3A_24 = tpu.memref_slice %arg10[%add3A_6, %dma_wait3A] : memref<10112x128xf32, #tpu.memory_space<vmem_shared>> -> memref<128x128xf32, #tpu.memory_space<vmem_shared>>
      %dma_wait3A_25 = arith.constant 0 : i32
      %dma_wait3A_26 = tpu.memref_slice %arg10[%add3A_6, %dma_wait3A_25] : memref<10112x128xf32, #tpu.memory_space<vmem_shared>> -> memref<128x128xf32, #tpu.memory_space<vmem_shared>>
      tpu.wait_dma2 semaphore(%run_scoped3A : memref<!tpu.dma_semaphore, #tpu.memory_space<semaphore_mem>>) src(%arg9 : memref<128x128xf32, #tpu.memory_space<vmem>>) dst(%dma_wait3A_26 : memref<128x128xf32, #tpu.memory_space<vmem_shared>>)
      tpu.yield
    }) : () -> ()
    %add3A_7 = arith.constant 128 : i32
    %add3A_8 = arith.addi %mul3A_2, %add3A_7 : i32
    "tpu.region"() ({
      %run_scoped3A = tpu.sem_alloc : memref<!tpu.dma_semaphore, #tpu.memory_space<semaphore_mem>>
      %dma_start3A = arith.constant 0 : i32
      %dma_start3A_21 = tpu.memref_slice %arg10[%add3A_8, %dma_start3A] : memref<10112x128xf32, #tpu.memory_space<vmem_shared>> -> memref<128x128xf32, #tpu.memory_space<vmem_shared>>
      %dma_start3A_22 = arith.constant 0 : i32
      %dma_start3A_23 = tpu.memref_slice %arg10[%add3A_8, %dma_start3A_22] : memref<10112x128xf32, #tpu.memory_space<vmem_shared>> -> memref<128x128xf32, #tpu.memory_space<vmem_shared>>
      tpu.enqueue_dma source(%arg9 : memref<128x128xf32, #tpu.memory_space<vmem>>) target(%dma_start3A_23 : memref<128x128xf32, #tpu.memory_space<vmem_shared>>) target_semaphore(%run_scoped3A : memref<!tpu.dma_semaphore, #tpu.memory_space<semaphore_mem>>)
      %dma_wait3A = arith.constant 0 : i32
      %dma_wait3A_24 = tpu.memref_slice %arg10[%add3A_8, %dma_wait3A] : memref<10112x128xf32, #tpu.memory_space<vmem_shared>> -> memref<128x128xf32, #tpu.memory_space<vmem_shared>>
      %dma_wait3A_25 = arith.constant 0 : i32
      %dma_wait3A_26 = tpu.memref_slice %arg10[%add3A_8, %dma_wait3A_25] : memref<10112x128xf32, #tpu.memory_space<vmem_shared>> -> memref<128x128xf32, #tpu.memory_space<vmem_shared>>
      tpu.wait_dma2 semaphore(%run_scoped3A : memref<!tpu.dma_semaphore, #tpu.memory_space<semaphore_mem>>) src(%arg9 : memref<128x128xf32, #tpu.memory_space<vmem>>) dst(%dma_wait3A_26 : memref<128x128xf32, #tpu.memory_space<vmem_shared>>)
      tpu.yield
    }) : () -> ()
    %add3A_9 = arith.constant 256 : i32
    %add3A_10 = arith.addi %mul3A_2, %add3A_9 : i32
    "tpu.region"() ({
      %run_scoped3A = tpu.sem_alloc : memref<!tpu.dma_semaphore, #tpu.memory_space<semaphore_mem>>
      %dma_start3A = arith.constant 0 : i32
      %dma_start3A_21 = tpu.memref_slice %arg10[%add3A_10, %dma_start3A] : memref<10112x128xf32, #tpu.memory_space<vmem_shared>> -> memref<128x128xf32, #tpu.memory_space<vmem_shared>>
      %dma_start3A_22 = arith.constant 0 : i32
      %dma_start3A_23 = tpu.memref_slice %arg10[%add3A_10, %dma_start3A_22] : memref<10112x128xf32, #tpu.memory_space<vmem_shared>> -> memref<128x128xf32, #tpu.memory_space<vmem_shared>>
      tpu.enqueue_dma source(%arg9 : memref<128x128xf32, #tpu.memory_space<vmem>>) target(%dma_start3A_23 : memref<128x128xf32, #tpu.memory_space<vmem_shared>>) target_semaphore(%run_scoped3A : memref<!tpu.dma_semaphore, #tpu.memory_space<semaphore_mem>>)
      %dma_wait3A = arith.constant 0 : i32
      %dma_wait3A_24 = tpu.memref_slice %arg10[%add3A_10, %dma_wait3A] : memref<10112x128xf32, #tpu.memory_space<vmem_shared>> -> memref<128x128xf32, #tpu.memory_space<vmem_shared>>
      %dma_wait3A_25 = arith.constant 0 : i32
      %dma_wait3A_26 = tpu.memref_slice %arg10[%add3A_10, %dma_wait3A_25] : memref<10112x128xf32, #tpu.memory_space<vmem_shared>> -> memref<128x128xf32, #tpu.memory_space<vmem_shared>>
      tpu.wait_dma2 semaphore(%run_scoped3A : memref<!tpu.dma_semaphore, #tpu.memory_space<semaphore_mem>>) src(%arg9 : memref<128x128xf32, #tpu.memory_space<vmem>>) dst(%dma_wait3A_26 : memref<128x128xf32, #tpu.memory_space<vmem_shared>>)
      tpu.yield
    }) : () -> ()
    %add3A_11 = arith.constant 384 : i32
    %add3A_12 = arith.addi %mul3A_2, %add3A_11 : i32
    "tpu.region"() ({
      %run_scoped3A = tpu.sem_alloc : memref<!tpu.dma_semaphore, #tpu.memory_space<semaphore_mem>>
      %dma_start3A = arith.constant 0 : i32
      %dma_start3A_21 = tpu.memref_slice %arg10[%add3A_12, %dma_start3A] : memref<10112x128xf32, #tpu.memory_space<vmem_shared>> -> memref<128x128xf32, #tpu.memory_space<vmem_shared>>
      %dma_start3A_22 = arith.constant 0 : i32
      %dma_start3A_23 = tpu.memref_slice %arg10[%add3A_12, %dma_start3A_22] : memref<10112x128xf32, #tpu.memory_space<vmem_shared>> -> memref<128x128xf32, #tpu.memory_space<vmem_shared>>
      tpu.enqueue_dma source(%arg9 : memref<128x128xf32, #tpu.memory_space<vmem>>) target(%dma_start3A_23 : memref<128x128xf32, #tpu.memory_space<vmem_shared>>) target_semaphore(%run_scoped3A : memref<!tpu.dma_semaphore, #tpu.memory_space<semaphore_mem>>)
      %dma_wait3A = arith.constant 0 : i32
      %dma_wait3A_24 = tpu.memref_slice %arg10[%add3A_12, %dma_wait3A] : memref<10112x128xf32, #tpu.memory_space<vmem_shared>> -> memref<128x128xf32, #tpu.memory_space<vmem_shared>>
      %dma_wait3A_25 = arith.constant 0 : i32
      %dma_wait3A_26 = tpu.memref_slice %arg10[%add3A_12, %dma_wait3A_25] : memref<10112x128xf32, #tpu.memory_space<vmem_shared>> -> memref<128x128xf32, #tpu.memory_space<vmem_shared>>
      tpu.wait_dma2 semaphore(%run_scoped3A : memref<!tpu.dma_semaphore, #tpu.memory_space<semaphore_mem>>) src(%arg9 : memref<128x128xf32, #tpu.memory_space<vmem>>) dst(%dma_wait3A_26 : memref<128x128xf32, #tpu.memory_space<vmem_shared>>)
      tpu.yield
    }) : () -> ()
    %add3A_13 = arith.constant 512 : i32
    %add3A_14 = arith.addi %mul3A_2, %add3A_13 : i32
    "tpu.region"() ({
      %run_scoped3A = tpu.sem_alloc : memref<!tpu.dma_semaphore, #tpu.memory_space<semaphore_mem>>
      %dma_start3A = arith.constant 0 : i32
      %dma_start3A_21 = arith.constant 0 : i32
      %dma_start3A_22 = tpu.memref_slice %arg9[%dma_start3A, %dma_start3A_21] : memref<128x128xf32, #tpu.memory_space<vmem>> -> memref<120x128xf32, #tpu.memory_space<vmem>>
      %dma_start3A_23 = arith.constant 0 : i32
      %dma_start3A_24 = tpu.memref_slice %arg10[%add3A_14, %dma_start3A_23] : memref<10112x128xf32, #tpu.memory_space<vmem_shared>> -> memref<120x128xf32, #tpu.memory_space<vmem_shared>>
      %dma_start3A_25 = arith.constant 0 : i32
      %dma_start3A_26 = tpu.memref_slice %arg10[%add3A_14, %dma_start3A_25] : memref<10112x128xf32, #tpu.memory_space<vmem_shared>> -> memref<120x128xf32, #tpu.memory_space<vmem_shared>>
      %dma_start3A_27 = arith.constant 0 : i32
      %dma_start3A_28 = arith.constant 0 : i32
      %dma_start3A_29 = tpu.memref_slice %arg9[%dma_start3A_27, %dma_start3A_28] : memref<128x128xf32, #tpu.memory_space<vmem>> -> memref<120x128xf32, #tpu.memory_space<vmem>>
      tpu.enqueue_dma source(%dma_start3A_29 : memref<120x128xf32, #tpu.memory_space<vmem>>) target(%dma_start3A_26 : memref<120x128xf32, #tpu.memory_space<vmem_shared>>) target_semaphore(%run_scoped3A : memref<!tpu.dma_semaphore, #tpu.memory_space<semaphore_mem>>)
      %dma_wait3A = arith.constant 0 : i32
      %dma_wait3A_30 = arith.constant 0 : i32
      %dma_wait3A_31 = tpu.memref_slice %arg9[%dma_wait3A, %dma_wait3A_30] : memref<128x128xf32, #tpu.memory_space<vmem>> -> memref<120x128xf32, #tpu.memory_space<vmem>>
      %dma_wait3A_32 = arith.constant 0 : i32
      %dma_wait3A_33 = tpu.memref_slice %arg10[%add3A_14, %dma_wait3A_32] : memref<10112x128xf32, #tpu.memory_space<vmem_shared>> -> memref<120x128xf32, #tpu.memory_space<vmem_shared>>
      %dma_wait3A_34 = arith.constant 0 : i32
      %dma_wait3A_35 = tpu.memref_slice %arg10[%add3A_14, %dma_wait3A_34] : memref<10112x128xf32, #tpu.memory_space<vmem_shared>> -> memref<120x128xf32, #tpu.memory_space<vmem_shared>>
      %dma_wait3A_36 = arith.constant 0 : i32
      %dma_wait3A_37 = arith.constant 0 : i32
      %dma_wait3A_38 = tpu.memref_slice %arg9[%dma_wait3A_36, %dma_wait3A_37] : memref<128x128xf32, #tpu.memory_space<vmem>> -> memref<120x128xf32, #tpu.memory_space<vmem>>
      tpu.wait_dma2 semaphore(%run_scoped3A : memref<!tpu.dma_semaphore, #tpu.memory_space<semaphore_mem>>) src(%dma_wait3A_38 : memref<120x128xf32, #tpu.memory_space<vmem>>) dst(%dma_wait3A_35 : memref<120x128xf32, #tpu.memory_space<vmem_shared>>)
      tpu.yield
    }) : () -> ()
    %barrier3A = arith.constant 0 : index
    tpu.barrier barrier_id(%barrier3A)
    %scan3A = arith.constant 0 : i32
    %scan3A_15 = arith.constant 0 : i32
    %scan3A_16 = arith.constant 80 : i32
    %scan3A_17 = arith.addi %scan3A_15, %scan3A_16 : i32
    %scan3A_18 = arith.constant 1 : i32
    scf.for %scan3A_21 = %scan3A_15 to %scan3A_17 step %scan3A_18  : i32 {
      "tpu.region"() ({
        %run_scoped3A = tpu.sem_alloc : memref<!tpu.dma_semaphore, #tpu.memory_space<semaphore_mem>>
        %dma_start3A = arith.constant 0 : i32
        %dma_start3A_22 = tpu.memref_slice %arg7[%scan3A_21, %dma_start3A] : memref<80x128xi32, #tpu.memory_space<vmem>> -> memref<1x128xi32, #tpu.memory_space<vmem>>
        %dma_start3A_23 = tpu.memref_squeeze %dma_start3A_22 : memref<1x128xi32, #tpu.memory_space<vmem>> -> memref<128xi32, #tpu.memory_space<vmem>>
        %dma_start3A_24 = arith.constant 0 : i32
        %dma_start3A_25 = arith.constant 0 : i32
        %dma_start3A_26 = tpu.memref_slice %arg2[%dma_start3A_24, %dma_start3A_25] : memref<10000x128xf32, #tpu.memory_space<hbm>> -> memref<10000x128xf32, #tpu.memory_space<hbm>>
        tpu.enqueue_indirect_dma source(%dma_start3A_26 : memref<10000x128xf32, #tpu.memory_space<hbm>>) target(%arg9 : memref<128x128xf32, #tpu.memory_space<vmem>>) offsets(%dma_start3A_23 : memref<128xi32, #tpu.memory_space<vmem>>) semaphore(%run_scoped3A : memref<!tpu.dma_semaphore, #tpu.memory_space<semaphore_mem>>)
        %dma_wait3A = arith.constant 0 : i32
        %dma_wait3A_27 = tpu.memref_slice %arg7[%scan3A_21, %dma_wait3A] : memref<80x128xi32, #tpu.memory_space<vmem>> -> memref<1x128xi32, #tpu.memory_space<vmem>>
        %dma_wait3A_28 = tpu.memref_squeeze %dma_wait3A_27 : memref<1x128xi32, #tpu.memory_space<vmem>> -> memref<128xi32, #tpu.memory_space<vmem>>
        %dma_wait3A_29 = arith.constant 0 : i32
        %dma_wait3A_30 = arith.constant 0 : i32
        %dma_wait3A_31 = tpu.memref_slice %arg2[%dma_wait3A_29, %dma_wait3A_30] : memref<10000x128xf32, #tpu.memory_space<hbm>> -> memref<10000x128xf32, #tpu.memory_space<hbm>>
        tpu.wait_indirect_dma semaphore(%run_scoped3A : memref<!tpu.dma_semaphore, #tpu.memory_space<semaphore_mem>>) src(%dma_wait3A_31 : memref<10000x128xf32, #tpu.memory_space<hbm>>) dst(%arg9 : memref<128x128xf32, #tpu.memory_space<vmem>>)
        tpu.yield
      }) : () -> ()
      "tpu.region"() ({
        %run_scoped3A = tpu.sem_alloc : memref<!tpu.dma_semaphore, #tpu.memory_space<semaphore_mem>>
        %dma_start3A = arith.constant 0 : i32
        %dma_start3A_22 = tpu.memref_slice %arg8[%scan3A_21, %dma_start3A] : memref<80x128xi32, #tpu.memory_space<vmem>> -> memref<1x128xi32, #tpu.memory_space<vmem>>
        %dma_start3A_23 = tpu.memref_squeeze %dma_start3A_22 : memref<1x128xi32, #tpu.memory_space<vmem>> -> memref<128xi32, #tpu.memory_space<vmem>>
        %dma_start3A_24 = arith.constant 0 : i32
        %dma_start3A_25 = arith.constant 0 : i32
        %dma_start3A_26 = tpu.memref_slice %arg10[%dma_start3A_24, %dma_start3A_25] : memref<10112x128xf32, #tpu.memory_space<vmem_shared>> -> memref<10112x128xf32, #tpu.memory_space<vmem_shared>>
        tpu.enqueue_indirect_dma source(%arg9 : memref<128x128xf32, #tpu.memory_space<vmem>>) target(%dma_start3A_26 : memref<10112x128xf32, #tpu.memory_space<vmem_shared>>) offsets(%dma_start3A_23 : memref<128xi32, #tpu.memory_space<vmem>>) semaphore(%run_scoped3A : memref<!tpu.dma_semaphore, #tpu.memory_space<semaphore_mem>>) {add = true}
        %dma_wait3A = arith.constant 0 : i32
        %dma_wait3A_27 = tpu.memref_slice %arg8[%scan3A_21, %dma_wait3A] : memref<80x128xi32, #tpu.memory_space<vmem>> -> memref<1x128xi32, #tpu.memory_space<vmem>>
        %dma_wait3A_28 = tpu.memref_squeeze %dma_wait3A_27 : memref<1x128xi32, #tpu.memory_space<vmem>> -> memref<128xi32, #tpu.memory_space<vmem>>
        %dma_wait3A_29 = arith.constant 0 : i32
        %dma_wait3A_30 = arith.constant 0 : i32
        %dma_wait3A_31 = tpu.memref_slice %arg10[%dma_wait3A_29, %dma_wait3A_30] : memref<10112x128xf32, #tpu.memory_space<vmem_shared>> -> memref<10112x128xf32, #tpu.memory_space<vmem_shared>>
        tpu.wait_indirect_dma semaphore(%run_scoped3A : memref<!tpu.dma_semaphore, #tpu.memory_space<semaphore_mem>>) src(%arg9 : memref<128x128xf32, #tpu.memory_space<vmem>>) dst(%dma_wait3A_31 : memref<10112x128xf32, #tpu.memory_space<vmem_shared>>)
        tpu.yield
      }) : () -> ()
    }
    %scan3A_19 = arith.constant 80 : i32
    %barrier3A_20 = arith.constant 0 : index
    tpu.barrier barrier_id(%barrier3A_20)
    "tpu.region"() ({
      %run_scoped3A = tpu.sem_alloc : memref<!tpu.dma_semaphore, #tpu.memory_space<semaphore_mem>>
      %dma_start3A = arith.constant 0 : i32
      %dma_start3A_21 = tpu.memref_slice %arg6[%arg0, %mul3A_2, %dma_start3A] : memref<2x10112x128xf32, #tpu.memory_space<hbm>> -> memref<1x632x128xf32, #tpu.memory_space<hbm>>
      %dma_start3A_22 = tpu.memref_squeeze %dma_start3A_21 : memref<1x632x128xf32, #tpu.memory_space<hbm>> -> memref<632x128xf32, #tpu.memory_space<hbm>>
      %dma_start3A_23 = arith.constant 0 : i32
      %dma_start3A_24 = tpu.memref_slice %arg10[%mul3A_2, %dma_start3A_23] : memref<10112x128xf32, #tpu.memory_space<vmem_shared>> -> memref<632x128xf32, #tpu.memory_space<vmem_shared>>
      tpu.enqueue_dma source(%dma_start3A_24 : memref<632x128xf32, #tpu.memory_space<vmem_shared>>) target(%dma_start3A_22 : memref<632x128xf32, #tpu.memory_space<hbm>>) target_semaphore(%run_scoped3A : memref<!tpu.dma_semaphore, #tpu.memory_space<semaphore_mem>>)
      %dma_wait3A = arith.constant 0 : i32
      %dma_wait3A_25 = tpu.memref_slice %arg6[%arg0, %mul3A_2, %dma_wait3A] : memref<2x10112x128xf32, #tpu.memory_space<hbm>> -> memref<1x632x128xf32, #tpu.memory_space<hbm>>
      %dma_wait3A_26 = tpu.memref_squeeze %dma_wait3A_25 : memref<1x632x128xf32, #tpu.memory_space<hbm>> -> memref<632x128xf32, #tpu.memory_space<hbm>>
      %dma_wait3A_27 = arith.constant 0 : i32
      %dma_wait3A_28 = tpu.memref_slice %arg10[%mul3A_2, %dma_wait3A_27] : memref<10112x128xf32, #tpu.memory_space<vmem_shared>> -> memref<632x128xf32, #tpu.memory_space<vmem_shared>>
      tpu.wait_dma2 semaphore(%run_scoped3A : memref<!tpu.dma_semaphore, #tpu.memory_space<semaphore_mem>>) src(%dma_wait3A_28 : memref<632x128xf32, #tpu.memory_space<vmem_shared>>) dst(%dma_wait3A_26 : memref<632x128xf32, #tpu.memory_space<hbm>>)
      tpu.yield
    }) : () -> ()
    return
  }
}

module attributes {stable_mosaic.version = 14 : i64} {
  func.func @_first_body(%arg0: i32, %arg1: memref<2000x128xf32, #tpu.memory_space<vmem>>, %arg2: memref<128x128xf32, #tpu.memory_space<vmem>>, %arg3: memref<128x128xf32, #tpu.memory_space<vmem>>, %arg4: memref<1x128xf32, #tpu.memory_space<vmem>>, %arg5: memref<2000x128xf32, #tpu.memory_space<vmem>>, %arg6: memref<2000x128xf32, #tpu.memory_space<vmem>>) attributes {dimension_semantics = [#tpu.dimension_semantics<arbitrary>], iteration_bounds = array<i64: 5>, scalar_prefetch = 0 : i64, scratch_operands = 0 : i64, tpu.core_type = #tpu.core_type<tc>, window_params = [{transform_indices = @transform_0, window_bounds = array<i64: 2000, 128>}, {pipeline_mode = #tpu.pipeline_mode<synchronous>, transform_indices = @transform_1, window_bounds = array<i64: 128, 128>}, {pipeline_mode = #tpu.pipeline_mode<synchronous>, transform_indices = @transform_2, window_bounds = array<i64: 128, 128>}, {pipeline_mode = #tpu.pipeline_mode<synchronous>, transform_indices = @transform_3, window_bounds = array<i64: 1, 128>}, {transform_indices = @transform_4, window_bounds = array<i64: 2000, 128>}, {transform_indices = @transform_5, window_bounds = array<i64: 2000, 128>}]} {
    %get3A = arith.constant 0 : index
    %get3A_0 = arith.constant 0 : index
    %get3A_1 = vector.load %arg1[%get3A, %get3A_0] : memref<2000x128xf32, #tpu.memory_space<vmem>>, vector<2000x128xf32>
    %get3A_2 = arith.constant 0 : index
    %get3A_3 = arith.constant 0 : index
    %get3A_4 = vector.load %arg2[%get3A_2, %get3A_3] : memref<128x128xf32, #tpu.memory_space<vmem>>, vector<128x128xf32>
    %dot_general3A = arith.constant dense<0.000000e+00> : vector<2000x128xf32>
    %dot_general3A_5 = tpu.matmul %get3A_1, %get3A_4, %dot_general3A {dimension_numbers = #tpu.dot_dimension_numbers<[1], [0], [0], [1], [0, 0, 1, 1], [], []>, transpose_lhs_hint = false} : vector<2000x128xf32>, vector<128x128xf32>, vector<2000x128xf32> -> vector<2000x128xf32>
    %get3A_6 = arith.constant 0 : index
    %get3A_7 = arith.constant 0 : index
    %get3A_8 = vector.load %arg4[%get3A_6, %get3A_7] : memref<1x128xf32, #tpu.memory_space<vmem>>, vector<1x128xf32>
    %add3A = vector.broadcast %get3A_8 : vector<1x128xf32> to vector<2000x128xf32>
    %add3A_9 = arith.addf %dot_general3A_5, %add3A : vector<2000x128xf32>
    %swap3A = arith.constant 0 : index
    %swap3A_10 = arith.constant 0 : index
    %swap3A_11 = vector.load %arg5[%swap3A, %swap3A_10] : memref<2000x128xf32, #tpu.memory_space<vmem>>, vector<2000x128xf32>
    tpu.vector_store %arg5[%swap3A, %swap3A_10], %add3A_9 {strides = array<i32>} : memref<2000x128xf32, #tpu.memory_space<vmem>>, vector<2000x128xf32>,
    %get3A_12 = arith.constant 0 : index
    %get3A_13 = arith.constant 0 : index
    %get3A_14 = vector.load %arg3[%get3A_12, %get3A_13] : memref<128x128xf32, #tpu.memory_space<vmem>>, vector<128x128xf32>
    %dot_general3A_15 = arith.constant dense<0.000000e+00> : vector<2000x128xf32>
    %dot_general3A_16 = tpu.matmul %get3A_1, %get3A_14, %dot_general3A_15 {dimension_numbers = #tpu.dot_dimension_numbers<[1], [0], [0], [1], [0, 0, 1, 1], [], []>, transpose_lhs_hint = false} : vector<2000x128xf32>, vector<128x128xf32>, vector<2000x128xf32> -> vector<2000x128xf32>
    %swap3A_17 = arith.constant 0 : index
    %swap3A_18 = arith.constant 0 : index
    %swap3A_19 = vector.load %arg6[%swap3A_17, %swap3A_18] : memref<2000x128xf32, #tpu.memory_space<vmem>>, vector<2000x128xf32>
    tpu.vector_store %arg6[%swap3A_17, %swap3A_18], %dot_general3A_16 {strides = array<i32>} : memref<2000x128xf32, #tpu.memory_space<vmem>>, vector<2000x128xf32>,
    return
  }
  func.func @transform_0(%arg0: i32) -> (i32, i32) {
    %c0_i32 = arith.constant 0 : i32
    %c0_i32_0 = arith.constant 0 : i32
    return %arg0, %c0_i32 : i32, i32
  }
  func.func @transform_1(%arg0: i32) -> (i32, i32) {
    %c0_i32 = arith.constant 0 : i32
    %c0_i32_0 = arith.constant 0 : i32
    %c0_i32_1 = arith.constant 0 : i32
    return %c0_i32, %c0_i32_0 : i32, i32
  }
  func.func @transform_2(%arg0: i32) -> (i32, i32) {
    %c0_i32 = arith.constant 0 : i32
    %c0_i32_0 = arith.constant 0 : i32
    %c0_i32_1 = arith.constant 0 : i32
    return %c0_i32, %c0_i32_0 : i32, i32
  }
  func.func @transform_3(%arg0: i32) -> (i32, i32) {
    %c0_i32 = arith.constant 0 : i32
    %c0_i32_0 = arith.constant 0 : i32
    %c0_i32_1 = arith.constant 0 : i32
    return %c0_i32, %c0_i32_0 : i32, i32
  }
  func.func @transform_4(%arg0: i32) -> (i32, i32) {
    %c0_i32 = arith.constant 0 : i32
    %c0_i32_0 = arith.constant 0 : i32
    return %arg0, %c0_i32 : i32, i32
  }
  func.func @transform_5(%arg0: i32) -> (i32, i32) {
    %c0_i32 = arith.constant 0 : i32
    %c0_i32_0 = arith.constant 0 : i32
    return %arg0, %c0_i32 : i32, i32
  }
}

module attributes {stable_mosaic.version = 14 : i64} {
  func.func @_mid_body(%arg0: i32, %arg1: memref<2000x128xf32, #tpu.memory_space<vmem>>, %arg2: memref<2x2000x128xf32, #tpu.memory_space<vmem>>, %arg3: memref<2x2000x128xf32, #tpu.memory_space<vmem>>, %arg4: memref<128x128xf32, #tpu.memory_space<vmem>>, %arg5: memref<128x128xf32, #tpu.memory_space<vmem>>, %arg6: memref<1x128xf32, #tpu.memory_space<vmem>>, %arg7: memref<2000x128xf32, #tpu.memory_space<vmem>>, %arg8: memref<2000x128xf32, #tpu.memory_space<vmem>>) attributes {dimension_semantics = [#tpu.dimension_semantics<arbitrary>], iteration_bounds = array<i64: 5>, scalar_prefetch = 0 : i64, scratch_operands = 0 : i64, tpu.core_type = #tpu.core_type<tc>, window_params = [{transform_indices = @transform_0, window_bounds = array<i64: 2000, 128>}, {transform_indices = @transform_1, window_bounds = array<i64: 2, 2000, 128>}, {transform_indices = @transform_2, window_bounds = array<i64: 2, 2000, 128>}, {pipeline_mode = #tpu.pipeline_mode<synchronous>, transform_indices = @transform_3, window_bounds = array<i64: 128, 128>}, {pipeline_mode = #tpu.pipeline_mode<synchronous>, transform_indices = @transform_4, window_bounds = array<i64: 128, 128>}, {pipeline_mode = #tpu.pipeline_mode<synchronous>, transform_indices = @transform_5, window_bounds = array<i64: 1, 128>}, {transform_indices = @transform_6, window_bounds = array<i64: 2000, 128>}, {transform_indices = @transform_7, window_bounds = array<i64: 2000, 128>}]} {
    %get3A = arith.constant 0 : index
    %get3A_0 = arith.constant 0 : index
    %get3A_1 = arith.constant 0 : index
    %get3A_2 = vector.load %arg2[%get3A, %get3A_0, %get3A_1] : memref<2x2000x128xf32, #tpu.memory_space<vmem>>, vector<1x2000x128xf32>
    %get3A_3 = vector.shape_cast %get3A_2 : vector<1x2000x128xf32> to vector<2000x128xf32>
    %get3A_4 = arith.constant 1 : index
    %get3A_5 = arith.constant 0 : index
    %get3A_6 = arith.constant 0 : index
    %get3A_7 = vector.load %arg2[%get3A_4, %get3A_5, %get3A_6] : memref<2x2000x128xf32, #tpu.memory_space<vmem>>, vector<1x2000x128xf32>
    %get3A_8 = vector.shape_cast %get3A_7 : vector<1x2000x128xf32> to vector<2000x128xf32>
    %add3A = arith.addf %get3A_3, %get3A_8 : vector<2000x128xf32>
    %get3A_9 = arith.constant 0 : index
    %get3A_10 = arith.constant 0 : index
    %get3A_11 = arith.constant 0 : index
    %get3A_12 = vector.load %arg3[%get3A_9, %get3A_10, %get3A_11] : memref<2x2000x128xf32, #tpu.memory_space<vmem>>, vector<1x2000x1xf32>
    %get3A_13 = vector.shape_cast %get3A_12 : vector<1x2000x1xf32> to vector<2000x1xf32>
    %get3A_14 = arith.constant 1 : index
    %get3A_15 = arith.constant 0 : index
    %get3A_16 = arith.constant 0 : index
    %get3A_17 = vector.load %arg3[%get3A_14, %get3A_15, %get3A_16] : memref<2x2000x128xf32, #tpu.memory_space<vmem>>, vector<1x2000x1xf32>
    %get3A_18 = vector.shape_cast %get3A_17 : vector<1x2000x1xf32> to vector<2000x1xf32>
    %add3A_19 = arith.addf %get3A_13, %get3A_18 : vector<2000x1xf32>
    %max3A = arith.constant 1.000000e+00 : f32
    %max3A_20 = vector.broadcast %max3A : f32 to vector<2000x1xf32>
    %max3A_21 = arith.maximumf %add3A_19, %max3A_20 : vector<2000x1xf32>
    %div3A = arith.constant 1.000000e+00 : f32
    %div3A_22 = vector.broadcast %div3A : f32 to vector<2000x1xf32>
    %div3A_23 = arith.divf %div3A_22, %max3A_21 : vector<2000x1xf32>
    %get3A_24 = arith.constant 0 : index
    %get3A_25 = arith.constant 0 : index
    %get3A_26 = vector.load %arg1[%get3A_24, %get3A_25] : memref<2000x128xf32, #tpu.memory_space<vmem>>, vector<2000x128xf32>
    %mul3A = vector.broadcast %div3A_23 : vector<2000x1xf32> to vector<2000x128xf32>
    %mul3A_27 = arith.mulf %add3A, %mul3A : vector<2000x128xf32>
    %add3A_28 = arith.addf %get3A_26, %mul3A_27 : vector<2000x128xf32>
    %max3A_29 = arith.constant 0.000000e+00 : f32
    %max3A_30 = vector.broadcast %max3A_29 : f32 to vector<2000x128xf32>
    %max3A_31 = arith.maximumf %add3A_28, %max3A_30 : vector<2000x128xf32>
    %get3A_32 = arith.constant 0 : index
    %get3A_33 = arith.constant 0 : index
    %get3A_34 = vector.load %arg4[%get3A_32, %get3A_33] : memref<128x128xf32, #tpu.memory_space<vmem>>, vector<128x128xf32>
    %dot_general3A = arith.constant dense<0.000000e+00> : vector<2000x128xf32>
    %dot_general3A_35 = tpu.matmul %max3A_31, %get3A_34, %dot_general3A {dimension_numbers = #tpu.dot_dimension_numbers<[1], [0], [0], [1], [0, 0, 1, 1], [], []>, transpose_lhs_hint = false} : vector<2000x128xf32>, vector<128x128xf32>, vector<2000x128xf32> -> vector<2000x128xf32>
    %get3A_36 = arith.constant 0 : index
    %get3A_37 = arith.constant 0 : index
    %get3A_38 = vector.load %arg6[%get3A_36, %get3A_37] : memref<1x128xf32, #tpu.memory_space<vmem>>, vector<1x128xf32>
    %add3A_39 = vector.broadcast %get3A_38 : vector<1x128xf32> to vector<2000x128xf32>
    %add3A_40 = arith.addf %dot_general3A_35, %add3A_39 : vector<2000x128xf32>
    %swap3A = arith.constant 0 : index
    %swap3A_41 = arith.constant 0 : index
    %swap3A_42 = vector.load %arg7[%swap3A, %swap3A_41] : memref<2000x128xf32, #tpu.memory_space<vmem>>, vector<2000x128xf32>
    tpu.vector_store %arg7[%swap3A, %swap3A_41], %add3A_40 {strides = array<i32>} : memref<2000x128xf32, #tpu.memory_space<vmem>>, vector<2000x128xf32>,
    %get3A_43 = arith.constant 0 : index
    %get3A_44 = arith.constant 0 : index
    %get3A_45 = vector.load %arg5[%get3A_43, %get3A_44] : memref<128x128xf32, #tpu.memory_space<vmem>>, vector<128x128xf32>
    %dot_general3A_46 = arith.constant dense<0.000000e+00> : vector<2000x128xf32>
    %dot_general3A_47 = tpu.matmul %max3A_31, %get3A_45, %dot_general3A_46 {dimension_numbers = #tpu.dot_dimension_numbers<[1], [0], [0], [1], [0, 0, 1, 1], [], []>, transpose_lhs_hint = false} : vector<2000x128xf32>, vector<128x128xf32>, vector<2000x128xf32> -> vector<2000x128xf32>
    %swap3A_48 = arith.constant 0 : index
    %swap3A_49 = arith.constant 0 : index
    %swap3A_50 = vector.load %arg8[%swap3A_48, %swap3A_49] : memref<2000x128xf32, #tpu.memory_space<vmem>>, vector<2000x128xf32>
    tpu.vector_store %arg8[%swap3A_48, %swap3A_49], %dot_general3A_47 {strides = array<i32>} : memref<2000x128xf32, #tpu.memory_space<vmem>>, vector<2000x128xf32>,
    return
  }
  func.func @transform_0(%arg0: i32) -> (i32, i32) {
    %c0_i32 = arith.constant 0 : i32
    %c0_i32_0 = arith.constant 0 : i32
    return %arg0, %c0_i32 : i32, i32
  }
  func.func @transform_1(%arg0: i32) -> (i32, i32, i32) {
    %c0_i32 = arith.constant 0 : i32
    %c0_i32_0 = arith.constant 0 : i32
    %c0_i32_1 = arith.constant 0 : i32
    return %c0_i32, %arg0, %c0_i32_0 : i32, i32, i32
  }
  func.func @transform_2(%arg0: i32) -> (i32, i32, i32) {
    %c0_i32 = arith.constant 0 : i32
    %c0_i32_0 = arith.constant 0 : i32
    %c0_i32_1 = arith.constant 0 : i32
    return %c0_i32, %arg0, %c0_i32_0 : i32, i32, i32
  }
  func.func @transform_3(%arg0: i32) -> (i32, i32) {
    %c0_i32 = arith.constant 0 : i32
    %c0_i32_0 = arith.constant 0 : i32
    %c0_i32_1 = arith.constant 0 : i32
    return %c0_i32, %c0_i32_0 : i32, i32
  }
  func.func @transform_4(%arg0: i32) -> (i32, i32) {
    %c0_i32 = arith.constant 0 : i32
    %c0_i32_0 = arith.constant 0 : i32
    %c0_i32_1 = arith.constant 0 : i32
    return %c0_i32, %c0_i32_0 : i32, i32
  }
  func.func @transform_5(%arg0: i32) -> (i32, i32) {
    %c0_i32 = arith.constant 0 : i32
    %c0_i32_0 = arith.constant 0 : i32
    %c0_i32_1 = arith.constant 0 : i32
    return %c0_i32, %c0_i32_0 : i32, i32
  }
  func.func @transform_6(%arg0: i32) -> (i32, i32) {
    %c0_i32 = arith.constant 0 : i32
    %c0_i32_0 = arith.constant 0 : i32
    return %arg0, %c0_i32 : i32, i32
  }
  func.func @transform_7(%arg0: i32) -> (i32, i32) {
    %c0_i32 = arith.constant 0 : i32
    %c0_i32_0 = arith.constant 0 : i32
    return %arg0, %c0_i32 : i32, i32
  }
}

module attributes {stable_mosaic.version = 14 : i64} {
  func.func @_last_body(%arg0: i32, %arg1: memref<2000x128xf32, #tpu.memory_space<vmem>>, %arg2: memref<2x2000x128xf32, #tpu.memory_space<vmem>>, %arg3: memref<2x2000x128xf32, #tpu.memory_space<vmem>>, %arg4: memref<2000x128xf32, #tpu.memory_space<vmem>>) attributes {dimension_semantics = [#tpu.dimension_semantics<arbitrary>], iteration_bounds = array<i64: 5>, scalar_prefetch = 0 : i64, scratch_operands = 0 : i64, tpu.core_type = #tpu.core_type<tc>, window_params = [{transform_indices = @transform_0, window_bounds = array<i64: 2000, 128>}, {transform_indices = @transform_1, window_bounds = array<i64: 2, 2000, 128>}, {transform_indices = @transform_2, window_bounds = array<i64: 2, 2000, 128>}, {transform_indices = @transform_3, window_bounds = array<i64: 2000, 128>}]} {
    %get3A = arith.constant 0 : index
    %get3A_0 = arith.constant 0 : index
    %get3A_1 = arith.constant 0 : index
    %get3A_2 = vector.load %arg2[%get3A, %get3A_0, %get3A_1] : memref<2x2000x128xf32, #tpu.memory_space<vmem>>, vector<1x2000x128xf32>
    %get3A_3 = vector.shape_cast %get3A_2 : vector<1x2000x128xf32> to vector<2000x128xf32>
    %get3A_4 = arith.constant 1 : index
    %get3A_5 = arith.constant 0 : index
    %get3A_6 = arith.constant 0 : index
    %get3A_7 = vector.load %arg2[%get3A_4, %get3A_5, %get3A_6] : memref<2x2000x128xf32, #tpu.memory_space<vmem>>, vector<1x2000x128xf32>
    %get3A_8 = vector.shape_cast %get3A_7 : vector<1x2000x128xf32> to vector<2000x128xf32>
    %add3A = arith.addf %get3A_3, %get3A_8 : vector<2000x128xf32>
    %get3A_9 = arith.constant 0 : index
    %get3A_10 = arith.constant 0 : index
    %get3A_11 = arith.constant 0 : index
    %get3A_12 = vector.load %arg3[%get3A_9, %get3A_10, %get3A_11] : memref<2x2000x128xf32, #tpu.memory_space<vmem>>, vector<1x2000x1xf32>
    %get3A_13 = vector.shape_cast %get3A_12 : vector<1x2000x1xf32> to vector<2000x1xf32>
    %get3A_14 = arith.constant 1 : index
    %get3A_15 = arith.constant 0 : index
    %get3A_16 = arith.constant 0 : index
    %get3A_17 = vector.load %arg3[%get3A_14, %get3A_15, %get3A_16] : memref<2x2000x128xf32, #tpu.memory_space<vmem>>, vector<1x2000x1xf32>
    %get3A_18 = vector.shape_cast %get3A_17 : vector<1x2000x1xf32> to vector<2000x1xf32>
    %add3A_19 = arith.addf %get3A_13, %get3A_18 : vector<2000x1xf32>
    %max3A = arith.constant 1.000000e+00 : f32
    %max3A_20 = vector.broadcast %max3A : f32 to vector<2000x1xf32>
    %max3A_21 = arith.maximumf %add3A_19, %max3A_20 : vector<2000x1xf32>
    %div3A = arith.constant 1.000000e+00 : f32
    %div3A_22 = vector.broadcast %div3A : f32 to vector<2000x1xf32>
    %div3A_23 = arith.divf %div3A_22, %max3A_21 : vector<2000x1xf32>
    %get3A_24 = arith.constant 0 : index
    %get3A_25 = arith.constant 0 : index
    %get3A_26 = vector.load %arg1[%get3A_24, %get3A_25] : memref<2000x128xf32, #tpu.memory_space<vmem>>, vector<2000x128xf32>
    %mul3A = vector.broadcast %div3A_23 : vector<2000x1xf32> to vector<2000x128xf32>
    %mul3A_27 = arith.mulf %add3A, %mul3A : vector<2000x128xf32>
    %add3A_28 = arith.addf %get3A_26, %mul3A_27 : vector<2000x128xf32>
    %swap3A = arith.constant 0 : index
    %swap3A_29 = arith.constant 0 : index
    %swap3A_30 = vector.load %arg4[%swap3A, %swap3A_29] : memref<2000x128xf32, #tpu.memory_space<vmem>>, vector<2000x128xf32>
    tpu.vector_store %arg4[%swap3A, %swap3A_29], %add3A_28 {strides = array<i32>} : memref<2000x128xf32, #tpu.memory_space<vmem>>, vector<2000x128xf32>,
    return
  }
  func.func @transform_0(%arg0: i32) -> (i32, i32) {
    %c0_i32 = arith.constant 0 : i32
    %c0_i32_0 = arith.constant 0 : i32
    return %arg0, %c0_i32 : i32, i32
  }
  func.func @transform_1(%arg0: i32) -> (i32, i32, i32) {
    %c0_i32 = arith.constant 0 : i32
    %c0_i32_0 = arith.constant 0 : i32
    %c0_i32_1 = arith.constant 0 : i32
    return %c0_i32, %arg0, %c0_i32_0 : i32, i32, i32
  }
  func.func @transform_2(%arg0: i32) -> (i32, i32, i32) {
    %c0_i32 = arith.constant 0 : i32
    %c0_i32_0 = arith.constant 0 : i32
    %c0_i32_1 = arith.constant 0 : i32
    return %c0_i32, %arg0, %c0_i32_0 : i32, i32, i32
  }
  func.func @transform_3(%arg0: i32) -> (i32, i32) {
    %c0_i32 = arith.constant 0 : i32
    %c0_i32_0 = arith.constant 0 : i32
    return %arg0, %c0_i32 : i32, i32
  }
}

</mosaic_0001>

<sc_bundles>
// kernel: kernel.12.cloned.1.call-start
scs
__scs_entry_jumppad:
0x0: {  	(pc) =	sbr.rel $0x88, $3  }
0x1: {  	(tag) =	ssettag $0x0;
	lr =	simm.s32 $0x1  }
0x2: {  	[smem:$0x3F96] =	sst lr;
	_ =	strace $0xD0000000  }
0x3: {  	_ = 	snop  }
0x4: {  	_ = 	snop  }
0x5: {  	_ = 	snop  }
0x6: {  	_ = 	snop  }
0x7: {  	_ = 	snop  }
__scs_overlays_trampoline_lowered:
0x8: {  	[smem:$0x3FA5] =	sst s0  }
0x9: {  	[smem:$0x3FA6] =	sst s1  }
0xa: {  	[smem:$0x3FA7] =	sst s2  }
0xb: {  	[smem:$0x3FA8] =	sst s3  }
0xc: {  	[smem:$0x3FA9] =	sst s4  }
0xd: {  	[smem:$0x3FAA] =	sst s5  }
0xe: {  	[smem:$0x3FAB] =	sst s6  }
0xf: {  	[smem:$0x3FAC] =	sst s7  }
0x10: {  	[smem:$0x3FAD] =	sst s8  }
0x11: {  	[smem:$0x3FAE] =	sst s9;
	s0 =	simm.s32 @!p0 $0x0  }
0x12: {  	s1 =	sld [smem:$0x3F94];
	s0 =	simm.s32 @p0 $0x1  }
0x13: {  	[smem:$0x3FAF] =	sst s0;
	s0 =	simm.s32 @!p1 $0x0  }
0x14: {  	s2 =	sld [smem:$0x3F93];
	s0 =	simm.s32 @p1 $0x1  }
0x15: {  	[smem:$0x3FB0] =	sst s0;
	s0 =	simm.s32 @!p2 $0x0  }
0x16: {  	s3 =	sld [smem:$0x3FDB];
	s0 =	simm.s32 @p2 $0x1  }
0x17: {  	s4 =	simm.s32 $0x1BF5;
	[smem:$0x3FB2] =	sst s0  }
0x18: {  	s0 =	sld [smem:$0x3F95];
	_ =	swait.ge [sflag:s4], $0x0  }
0x19: {  	s7 =	sld [smem:$0x3F96]  }
0x1a: {  	s8 =	sadd.s32 $0xFFFFE003, lr  }
0x1b: {  	s9 =	sadd.s32 $0xFFFFFEF7, lr;
	s5 =	simm.s32 $0xFFFFFFFF;
	p2 =	slt.u32 s8, $0xFFFFF086  }
0x1c: {  	p1 =	slt.u32 s9, $0xF7A;
	s5 =	simm.s32 @!p2 $0x0  }
0x1d: {  	s5 =	simm.s32 @p1 $0x1;
	p0 =	seq.s32 s7, s2  }
0x1e: {  	s7 =	smul.u32 @!p0 $0xF7A, s2;
	p2 =	seq.s32 @!p0 s5, $0x0  }
0x1f: {  	s9 =	smul.u32 $0xF7A, s1;
	s8 =	simm.s32 @!p0 $0x1BF5;
	p2 =	por !p2, p0  }
0x20: {  	[sflag:s8] =	ssyncset.s32 @!p0 $0xFFFFF086;
	s6 =	sadd.s32 @!p0 s3, s7;
	s7 =	simm.s32 @!p0 $0x108  }
0x21: {  	s3 =	sadd.s32 s3, s9;
	s6 =	sadd.s32 @!p0 $0x88, s6;
	s7 =	simm.s32 @p2 $0x1082  }
0x22: {  	[simem:s7], [sflag:s8] =	dma.local @!p0 [hbm:s6], $0xF7A  }
0x23: {  	s9 =	sor.u32 $0xD0000000, s2;
	s6 =	simm.s32 $0x108;
	_ =	swait.ge @!p0 [sflag:s8], $0x0  }
0x24: {  	s3 =	sadd.s32 $0x88, s3;
	s6 =	simm.s32 @!p1 $0x1082;
	[sflag:s4] =	ssyncset.s32 $0xFFFFF086  }
0x25: {  	[simem:s6], [sflag:s4] =	dma.local [hbm:s3], $0xF7A  }
0x26: {  	[smem:$0x3F96] =	sst s1;
	(tag) =	ssettag s2;
	_ =	strace s9  }
0x27: {  	s1 =	sld [smem:$0x3FA6]  }
0x28: {  	s2 =	sld [smem:$0x3FA7]  }
0x29: {  	s4 =	sld [smem:$0x3FA9]  }
0x2a: {  	p0 =	seq.s32 s5, $0x0;
	s5 =	sld [smem:$0x3FAA]  }
0x2b: {  	s6 =	sld [smem:$0x3FAB]  }
0x2c: {  	s7 =	sld [smem:$0x3FAC]  }
0x2d: {  	s3 =	simm.s32 $0x108;
	s8 =	sld [smem:$0x3FAD]  }
0x2e: {  	s3 =	simm.s32 @!p0 $0x1082;
	s9 =	sld [smem:$0x3FAE]  }
0x2f: {  	lr =	sadd.s32 s0, s3;
	s0 =	sld [smem:$0x3FA5]  }
0x30: {  	s3 =	sld [smem:$0x3FA8]  }
0x31: {  	[smem:$0x3FB1] =	sst s10  }
0x32: {  	s10 =	sld [smem:$0x3FAF];
	_ =	sdelay $0x3  }
0x33: {  	p0 =	seq.s32 s10, $0x1;
	s10 =	sld [smem:$0x3FB1];
	_ =	sdelay $0x3  }
0x34: {  	[smem:$0x3FB1] =	sst s10  }
0x35: {  	s10 =	sld [smem:$0x3FB0];
	_ =	sdelay $0x3  }
0x36: {  	p1 =	seq.s32 s10, $0x1;
	s10 =	sld [smem:$0x3FB1];
	_ =	sdelay $0x3  }
0x37: {  	[smem:$0x3FB1] =	sst s10  }
0x38: {  	s10 =	sld [smem:$0x3FB2]  }
0x39: {  	_ = 	snop;
	(pc) =	sbr.ind lr, $3  }
0x3a: {  	_ = 	snop  }
0x3b: {  	_ = 	snop  }
0x3c: {  	p2 =	seq.s32 s10, $0x1;
	s10 =	sld [smem:$0x3FB1]  }
0x3d: {  	_ =	shalt  }
0x3e: {  	_ =	shalt  }
0x3f: {  	_ =	shalt  }
0x40: {  	_ =	shalt  }
0x41: {  	_ =	shalt  }
0x42: {  	_ =	shalt  }
0x43: {  	_ =	shalt  }
0x44: {  	_ =	shalt  }
0x45: {  	_ =	shalt  }
0x46: {  	_ =	shalt  }
0x47: {  	_ =	shalt  }
0x48: {  	_ =	shalt  }
0x49: {  	_ =	shalt  }
0x4a: {  	_ =	shalt  }
0x4b: {  	_ =	shalt  }
0x4c: {  	_ =	shalt  }
0x4d: {  	_ =	shalt  }
0x4e: {  	_ =	shalt  }
0x4f: {  	_ =	shalt  }
0x50: {  	_ =	shalt  }
0x51: {  	_ =	shalt  }
0x52: {  	_ =	shalt  }
0x53: {  	_ =	shalt  }
0x54: {  	_ =	shalt  }
0x55: {  	_ =	shalt  }
0x56: {  	_ =	shalt  }
0x57: {  	_ =	shalt  }
0x58: {  	_ =	shalt  }
0x59: {  	_ =	shalt  }
0x5a: {  	_ =	shalt  }
0x5b: {  	_ =	shalt  }
0x5c: {  	_ =	shalt  }
0x5d: {  	_ =	shalt  }
0x5e: {  	_ =	shalt  }
0x5f: {  	_ =	shalt  }
0x60: {  	_ =	shalt  }
0x61: {  	_ =	shalt  }
0x62: {  	_ =	shalt  }
0x63: {  	_ =	shalt  }
0x64: {  	_ =	shalt  }
0x65: {  	_ =	shalt  }
0x66: {  	_ =	shalt  }
0x67: {  	_ =	shalt  }
0x68: {  	_ =	shalt  }
0x69: {  	_ =	shalt  }
0x6a: {  	_ =	shalt  }
0x6b: {  	_ =	shalt  }
0x6c: {  	_ =	shalt  }
0x6d: {  	_ =	shalt  }
0x6e: {  	_ =	shalt  }
0x6f: {  	_ =	shalt  }
0x70: {  	_ =	shalt  }
0x71: {  	_ =	shalt  }
0x72: {  	_ =	shalt  }
0x73: {  	_ =	shalt  }
0x74: {  	_ =	shalt  }
0x75: {  	_ =	shalt  }
0x76: {  	_ =	shalt  }
0x77: {  	_ =	shalt  }
0x78: {  	_ =	shalt  }
0x79: {  	_ =	shalt  }
0x7a: {  	_ =	shalt  }
0x7b: {  	_ =	shalt  }
0x7c: {  	_ =	shalt  }
0x7d: {  	_ =	shalt  }
0x7e: {  	_ =	shalt  }
0x7f: {  	_ =	shalt  }
0x80: {  	_ =	shalt  }
0x81: {  	_ =	shalt  }
0x82: {  	_ =	shalt  }
0x83: {  	_ =	shalt  }
0x84: {  	_ =	shalt  }
0x85: {  	_ =	shalt  }
0x86: {  	_ =	shalt  }
0x87: {  	_ =	shalt  }
.Lfunc_end0:
.L_simem_size_0:
called_computation.1_lowered:
.L_overlay_start_0:
0x88: {  	s2 =	sld [smem:$0x3FD9]  }
0x89: {  	s3 =	sld [smem:$0x3FFE];
	_ =	sdelay $0x1  }
0x8a: {  	s1 =	srdreg.scid  }
0x8b: {  	s0 =	sand.u32 $0x1, s1  }
0x8c: {  	s17 =	sshll.u32 s0, $0xA;
	s2 =	sadd.s32 s3, s2  }
0x8d: {  	s2 =	sadd.s32 s2, s17  }
0x8e: {  	[smem:$0x3FBD] =	sst s2  }
0x8f: {  	_ = 	snop  }
0x90: {  	s2 =	sld [smem:$0x3FD0];
	(tm) =	ssettm $0x1  }
0x91: {  	s18 =	sld [smem:$0x3FFB];
	_ =	sdelay $0x3  }
0x92: {  	_ =	strace s18  }
0x93: {  	s3 =	sld [smem:$0x3FFC];
	_ =	sdelay $0x3  }
0x94: {  	_ =	strace s3  }
0x95: {  	s3 =	sld [smem:$0x3FFD];
	_ =	sdelay $0x3  }
0x96: {  	_ =	strace s3  }
0x97: {  	_ =	strace $0x8FFFFFFF  }
0x98: {  	s19 =	sld [smem:$0x3FDB];
	_ =	sdelay $0x1  }
0x99: {  	s4 =	simm.s32 $_scs_section_size  }
0x9a: {  	s5 =	simm.s32 $_size__tile_overlayer_lowered;
	s6 =	simm.s32 $_tile_overlayer_lowered  }
0x9b: {  	s22 =	simm.s32 $0x1BFF;
	s21 =	sshll.u32 s6, $0x1;
	s3 =	sadd.s32 s4, s19  }
0x9c: {  	s7 =	simm.s32 $0x0;
	s20 =	sshll.u32 s5, $0x1;
	s5 =	sadd.s32 s21, s3  }
0x9d: {  	[timem:s7], [sflag:s22] =	dma.local [hbm:s5], s20  }
0x9e: {  	_ =	swait.ge [sflag:s22], s20  }
0x9f: {  	s4 =	ssub.s32 $0x0, s20;
	[sflag:s22] =	ssyncset.done $0x0  }
0xa0: {  	[sflag:s22] =	ssyncadd.s32 s4;
	_ =	sdelay $0x1  }
0xa1: {  	s23 =	simm.s32 $0x1B8B  }
0xa2: {  	_ =	swait.ge [sflag:s23], $0x1  }
0xa3: {  	[sflag:s23] =	ssyncset.done $0x0  }
0xa4: {  	s25 =	simm.s32 $0x1B8E;
	s24 =	sld [smem:$0x3FFE];
	[sflag:s23] =	ssyncadd.s32 $0xFFFFFFFF  }
0xa5: {  	s26 =	simm.s32 $execute0_lowered;
	[smem:$0x3FD2] =	sst s25  }
0xa6: {  	s5 =	sshll.u32 s26, $0x1;
	_ =	strace $0x80000049;
	[dreg:$0x1] =	wrdreg $0xFFFFFFFF  }
0xa7: {  	s28 =	simm.s32 $_size_execute0_lowered;
	s3 =	sadd.s32 s3, s5;
	[dreg:$0x0] =	wrdreg $0x0  }
0xa8: {  	s5 =	sshll.u32 s28, $0x1;
	[dreg:$0x2] =	wrdreg s3  }
0xa9: {  	[dreg:$0x3] =	wrdreg s5  }
0xaa: {  	[dreg:$0x4] =	wrdreg $0xC0  }
0xab: {  	_ =	task [dreg:s7], $0x5FFFF  }
0xac: {  	[dreg:$0x1] =	wrdreg $0xFFFFFFFF  }
0xad: {  	[dreg:$0x0] =	wrdreg $0x60  }
0xae: {  	[dreg:$0x2] =	wrdreg s2  }
0xaf: {  	[dreg:$0x3] =	wrdreg s24  }
0xb0: {  	[dreg:$0x4] =	wrdreg $0x90000  }
0xb1: {  	[dreg:$0x5] =	wrdreg $0x9  }
0xb2: {  	_ =	task.clear_ibuf [dreg:s7], $0x6FFFF;
	_ =	strace $0x90000049  }
0xb3: {  	s29 =	simm.s32 $0x9;
	_ =	strace $0x8000004B  }
0xb4: {  	_ =	swait.ge [sflag:s29], $0x1  }
0xb5: {  	[sflag:s29] =	ssyncadd.s32 $0xFFFFFFFF  }
0xb6: {  	_ =	strace $0x9000004B  }
0xb7: {  	_ =	sfence  }
0xb8: {  	s30 =	sld [smem:$0x0];
	_ =	sdelay $0x2  }
0xb9: {  	s31 =	sshll.u32 s1, $0xD;
	s1 =	sshrl.u32 s1, $0x2  }
0xba: {  	s3 =	sand.u32 $0x4000, s31;
	s1 =	sadd.s32 s1, s30  }
0xbb: {  	s0 =	sor.u32 s3, s0;
	s1 =	sshll.u32 s1, $0x11  }
0xbc: {  	s0 =	sor.u32 s1, s0  }
0xbd: {  	s0 =	sadd.s32 $0x8F2B, s0  }
0xbe: {  	[sflag:s0] =	ssyncadd.remote.s32 $0x1  }
0xbf: {  	_ =	sfence.sel $0xFFFF  }
0xc0: {  	[dreg:$0x0] =	wrdreg $0xFFFFFFFF;
	(pc) =	sbr.abs _section_cstart, $3  }
0xc1: {  	[dreg:$0x1] =	wrdreg $0xFFFFFFFF  }
0xc2: {  	_ =	task.clear_ibuf [dreg:s7], $0x2FFFF;
	_ =	strace $0x9FFFFFFF  }
0xc3: {  	(tm) =	ssettm $0x7FFFFFFF  }
tec
execute0_lowered:
.L_overlay_start_1:
0x0: {  	(tag) =	ssettag $0x1  }
0x1: {  	s1 =	rddreg [dreg:$0x0]  }
0x2: {  	s0 =	srdreg.scid;
	s7 =	rddreg [dreg:$0x1]  }
0x3: {  	s3 =	rddreg [dreg:$0x2];
	s4 =	simm.s32 $0x0;
	s15 =	simm.s32 $0x1  }
0x4: {  	s16 =	simm.s32 $0x2800;
	s17 =	simm.s32 $0x5000;
	s6 =	sand.u32 $0x1, s0  }
0x5: {  	s18 =	simm.s32 $0x80;
	s0 =	stileid.u32;
	s8 =	smul.u32 $0x13C000, s6  }
0x6: {  	s21 =	simm.s32 $0x0;
	[smem:$0x7FF] =	sst s4;
	s9 =	smul.u32 $0x13C00, s0  }
0x7: {  	s2 =	sshll.u32 s6, $0x4;
	s29 =	smul.u32 $0x4F000, s0;
	s6 =	ssub.s32 $0x2, s6  }
0x8: {  	s19 =	sshll.u32 s0, $0x6;
	s2 =	sor.u32 s0, s2;
	s30 =	sshrl.u32 s6, $0x1  }
0x9: {  	s19 =	sor.u32 $0x1C01, s19;
	s5 =	smul.u32 $0x500, s2;
	s2 =	rddreg [dreg:$0x3]  }
0xa: {  	_ =	strace $0x8000004A;
	s8 =	sadd.s32 s9, s8;
	s14 =	ssub.s32 s6, s30  }
0xb: {  	s31 =	sshrl.u32 s29, $0x2;
	s8 =	sshrl.u32 s8, $0x3;
	s14 =	smax.u32 s14, $0x1  }
0xc: {  	s10 =	sadd.s32 s5, s7;
	s5 =	sadd.s32 $0x16C00, s7;
	s13 =	sadd.s32 s8, s7  }
0xd: {  	s7 =	sadd.s32 s31, s3;
	s6 =	sadd.s32 $0xCC00, s10;
	s8 =	sadd.s32 $0x2C00, s10  }
0xe: {  	s9 =	sadd.s32 $0x4000, s7;
	s10 =	sadd.s32 $0x8000, s7;
	s11 =	sadd.s32 $0xC000, s7  }
0xf: {  	s12 =	sadd.s32 $0x10000, s7;
	s13 =	sadd.s32 $0x17400, s13;
	s20 =	sshrl.u32 s7, $0x3  }
.LBB2_1:
0x10: {  	[tilespmem:s4], [sflag:$0x1] =	stream.linear.gather [hbm4b:s6+s4], $0x2800, $0x38;
	[tilespmem:$0x1CC00] =	vst v63  }
0x11: {  	_ =	swait.ge [sflag:s15], $0x2800  }
0x12: {  	[sflag:s15] =	ssyncset.done $0x0  }
0x13: {  	[sflag:s15] =	ssyncadd.s32 $0xFFFFD800  }
0x14: {  	[tilespmem:s16], [sflag:$0x1] =	stream.linear.gather [hbm4b:s8+s4], $0x2800, $0x38;
	[tilespmem:$0x1CC00] =	vst v63  }
0x15: {  	_ =	swait.ge [sflag:s15], $0x2800  }
0x16: {  	[sflag:s15] =	ssyncset.done $0x0  }
0x17: {  	[sflag:s15] =	ssyncadd.s32 $0xFFFFD800  }
0x18: {  	[tilespmem:s17], [sflag:$0x1] =	stream.linear.gather [hbm4b:s5+s4], $0x4000, $0x38;
	[tilespmem:$0x1CC00] =	vst v63  }
0x19: {  	_ =	swait.ge [sflag:s15], $0x4000  }
0x1a: {  	[sflag:s15] =	ssyncset.done $0x0  }
0x1b: {  	[sflag:s15] =	ssyncadd.s32 $0xFFFFC000  }
0x1c: {  	[spmem:s7] =	stream.linear.scatter [tilespmem:s17], [sflag:$0x1], $0x4000, $0x38;
	[tilespmem:$0x1CC00] =	vst v63  }
0x1d: {  	_ =	swait.ge [sflag:s15], $0x4000  }
0x1e: {  	[sflag:s15] =	ssyncset.done $0x0  }
0x1f: {  	[sflag:s15] =	ssyncadd.s32 $0xFFFFC000  }
0x20: {  	[spmem:s9] =	stream.linear.scatter [tilespmem:s17], [sflag:$0x1], $0x4000, $0x38;
	[tilespmem:$0x1CC00] =	vst v63  }
0x21: {  	_ =	swait.ge [sflag:s15], $0x4000  }
0x22: {  	[sflag:s15] =	ssyncset.done $0x0  }
0x23: {  	[sflag:s15] =	ssyncadd.s32 $0xFFFFC000  }
0x24: {  	[spmem:s10] =	stream.linear.scatter [tilespmem:s17], [sflag:$0x1], $0x4000, $0x38;
	[tilespmem:$0x1CC00] =	vst v63  }
0x25: {  	_ =	swait.ge [sflag:s15], $0x4000  }
0x26: {  	[sflag:s15] =	ssyncset.done $0x0  }
0x27: {  	[sflag:s15] =	ssyncadd.s32 $0xFFFFC000  }
0x28: {  	[spmem:s11] =	stream.linear.scatter [tilespmem:s17], [sflag:$0x1], $0x4000, $0x38;
	[tilespmem:$0x1CC00] =	vst v63  }
0x29: {  	_ =	swait.ge [sflag:s15], $0x4000  }
0x2a: {  	[sflag:s15] =	ssyncset.done $0x0  }
0x2b: {  	[sflag:s15] =	ssyncadd.s32 $0xFFFFC000  }
0x2c: {  	[spmem:s12] =	stream.linear.scatter [tilespmem:s17], [sflag:$0x1], $0x3C00, $0x38;
	[tilespmem:$0x1CC00] =	vst v63  }
0x2d: {  	_ =	swait.ge [sflag:s15], $0x3C00  }
0x2e: {  	[sflag:s15] =	ssyncset.done $0x0  }
0x2f: {  	[sflag:s15] =	ssyncadd.s32 $0xFFFFC400  }
0x30: {  	s22 =	simm.s32 $0x0;
	[bflag:$0x0] =	sbarrier.arrive $0xFFFF  }
0x31: {  	[tilespmem:s17], [sflag:$0x1] =	stream.indirect.gather [hbm4b:s1+s18], $0x80, s22, s18, $0xb8;
	[tilespmem:$0x1CC00] =	vst v63  }
0x32: {  	_ =	swait.ge [sflag:s15], $0x4000  }
0x33: {  	[sflag:s15] =	ssyncset.done $0x0  }
0x34: {  	s31 =	simm.s32 $0x2800;
	[sflag:s15] =	ssyncadd.s32 $0xFFFFC000  }
0x35: {  	[spmem:s3] =	stream.indirect.scatter.add.f32 [tilespmem:s17], [sflag:$0x1], $0x80, s31, s18, $0xb8;
	[tilespmem:$0x1CC00] =	vst v63  }
0x36: {  	_ =	swait.ge [sflag:s15], $0x4000  }
0x37: {  	s23 =	simm.s32 $0x400;
	s22 =	simm.s32 $0x200;
	[sflag:s15] =	ssyncset.done $0x0  }
.LBB2_2:
0x38: {  	s24 =	sshra.s32 s22, $0x2  }
0x39: {  	[sflag:s15] =	ssyncadd.s32 $0xFFFFC000;
	s22 =	smov.u32 s23;
	s25 =	sadd.s32 $0x200, s23  }
0x3a: {  	[tilespmem:s17], [sflag:$0x1] =	stream.indirect.gather [hbm4b:s1+s18], $0x80, s24, s18, $0xb8;
	[tilespmem:$0x1CC00] =	vst v63  }
0x3b: {  	p0 =	sne.s32 s23, $0x9E00;
	_ =	swait.ge [sflag:s15], $0x4000  }
.Ltmp0:
0x3c: {  	[sflag:s15] =	ssyncset.done $0x0;
	(pc) =	sbr.rel @p0 .LBB2_2-.Ltmp0, $4  }
0x3d: {  	s23 =	sadd.s32 $0x2800, s24;
	[sflag:s15] =	ssyncadd.s32 $0xFFFFC000  }
0x3e: {  	[spmem:s3] =	stream.indirect.scatter.add.f32 [tilespmem:s17], [sflag:$0x1], $0x80, s23, s18, $0xb8;
	[tilespmem:$0x1CC00] =	vst v63  }
0x3f: {  	_ =	swait.ge [sflag:s15], $0x4000  }
0x40: {  	s23 =	smov.u32 s25;
	[sflag:s15] =	ssyncset.done $0x0  }
0x41: {  	s22 =	sshra.s32 s22, $0x2;
	[sflag:s15] =	ssyncadd.s32 $0xFFFFC000  }
0x42: {  	[tilespmem:s17], [sflag:$0x1] =	stream.indirect.gather [hbm4b:s1+s18], $0x80, s22, s18, $0xb8;
	[tilespmem:$0x1CC00] =	vst v63  }
0x43: {  	_ =	swait.ge [sflag:s15], $0x4000  }
0x44: {  	[sflag:s15] =	ssyncset.done $0x0  }
0x45: {  	s22 =	sadd.s32 $0x2800, s22;
	[sflag:s15] =	ssyncadd.s32 $0xFFFFC000  }
0x46: {  	[spmem:s3] =	stream.indirect.scatter.add.f32 [tilespmem:s17], [sflag:$0x1], $0x80, s22, s18, $0xb8;
	[tilespmem:$0x1CC00] =	vst v63  }
0x47: {  	_ =	swait.ge [sflag:s15], $0x4000  }
0x48: {  	s21 =	sadd.s32 $0x1, s21;
	[sflag:s15] =	ssyncset.done $0x0  }
0x49: {  	p0 =	sne.s32 s21, s14;
	[sflag:s15] =	ssyncadd.s32 $0xFFFFC000  }
.Ltmp1:
0x4a: {  	[bflag:$0x0] =	sbarrier.arrive $0xFFFF;
	(pc) =	sbr.rel @p0 .LBB2_1-.Ltmp1, $4  }
0x4b: {  	[hbm:s13], [sflag:s19] =	dma.local [spmem:s20], $0x2780  }
0x4c: {  	_ =	swait.ge [sflag:s15], $0x2780  }
0x4d: {  	[sflag:s15] =	ssyncset.done $0x0  }
0x4e: {  	[sflag:s15] =	ssyncadd.s32 $0xFFFFD880  }
0x4f: {  	_ =	sfence.sel $0x180000  }
0x50: {  	[bflag:$0x0] =	sbarrier.arrive $0xFFFF  }
0x51: {  	p0 =	sne.s32 s0, $0x0;
	_ =	strace $0x9000004A  }
0x52: {  	s0 =	sadd.s32 @!p0 $0x100000, s2;
	[bflag:$0x2] =	sbarrier.arrive $0xFFFF  }
0x53: {  	[sflag:s0] =	ssyncadd.tile.s32 @!p0 $0x1;
	_ =	shalt  }
.Lfunc_end2:
_tile_overlayer_lowered:
.L_overlay_start_2:
0x54: {  	(tag) =	ssettag $0x2  }
0x55: {  	s0 =	rddreg [dreg:$0x0];
	s2 =	stileid.u32  }
0x56: {  	s1 =	rddreg [dreg:$0x1];
	p0 =	sne.s32 s2, $0x0  }
0x57: {  	s3 =	rddreg [dreg:$0x2];
	[bflag:$0x3] =	sbarrier.arrive $0xFFFF;
	s2 =	simm.s32 @!p0 $0x1C01  }
0x58: {  	[timem:s3], [sflag:s2] =	dma.local @!p0 [hbm:s0], s1  }
0x59: {  	s0 =	simm.s32 @!p0 $0x1  }
0x5a: {  	_ =	swait.ge @!p0 [sflag:s0], s1  }
0x5b: {  	s1 =	ssub.s32 @!p0 $0x0, s1;
	[sflag:s0] =	ssyncset.done @!p0 $0x0  }
0x5c: {  	[sflag:s0] =	ssyncadd.s32 @!p0 s1  }
0x5d: {  	[bflag:$0x3] =	sbarrier.arrive $0xFFFF  }
0x5e: {  	_ =	shalt  }

// kernel: kernel.15.cloned.1.call-start
scs
__scs_entry_jumppad:
0x0: {  	(pc) =	sbr.rel $0x88, $3  }
0x1: {  	(tag) =	ssettag $0x0;
	lr =	simm.s32 $0x1  }
0x2: {  	[smem:$0x3F96] =	sst lr;
	_ =	strace $0xD0000000  }
0x3: {  	_ = 	snop  }
0x4: {  	_ = 	snop  }
0x5: {  	_ = 	snop  }
0x6: {  	_ = 	snop  }
0x7: {  	_ = 	snop  }
__scs_overlays_trampoline_lowered:
0x8: {  	[smem:$0x3FA5] =	sst s0  }
0x9: {  	[smem:$0x3FA6] =	sst s1  }
0xa: {  	[smem:$0x3FA7] =	sst s2  }
0xb: {  	[smem:$0x3FA8] =	sst s3  }
0xc: {  	[smem:$0x3FA9] =	sst s4  }
0xd: {  	[smem:$0x3FAA] =	sst s5  }
0xe: {  	[smem:$0x3FAB] =	sst s6  }
0xf: {  	[smem:$0x3FAC] =	sst s7  }
0x10: {  	[smem:$0x3FAD] =	sst s8  }
0x11: {  	[smem:$0x3FAE] =	sst s9;
	s0 =	simm.s32 @!p0 $0x0  }
0x12: {  	s1 =	sld [smem:$0x3F94];
	s0 =	simm.s32 @p0 $0x1  }
0x13: {  	[smem:$0x3FAF] =	sst s0;
	s0 =	simm.s32 @!p1 $0x0  }
0x14: {  	s2 =	sld [smem:$0x3F93];
	s0 =	simm.s32 @p1 $0x1  }
0x15: {  	[smem:$0x3FB0] =	sst s0;
	s0 =	simm.s32 @!p2 $0x0  }
0x16: {  	s3 =	sld [smem:$0x3FDB];
	s0 =	simm.s32 @p2 $0x1  }
0x17: {  	s4 =	simm.s32 $0x1BF5;
	[smem:$0x3FB2] =	sst s0  }
0x18: {  	s0 =	sld [smem:$0x3F95];
	_ =	swait.ge [sflag:s4], $0x0  }
0x19: {  	s7 =	sld [smem:$0x3F96]  }
0x1a: {  	s8 =	sadd.s32 $0xFFFFE003, lr  }
0x1b: {  	s9 =	sadd.s32 $0xFFFFFEF7, lr;
	s5 =	simm.s32 $0xFFFFFFFF;
	p2 =	slt.u32 s8, $0xFFFFF086  }
0x1c: {  	p1 =	slt.u32 s9, $0xF7A;
	s5 =	simm.s32 @!p2 $0x0  }
0x1d: {  	s5 =	simm.s32 @p1 $0x1;
	p0 =	seq.s32 s7, s2  }
0x1e: {  	s7 =	smul.u32 @!p0 $0xF7A, s2;
	p2 =	seq.s32 @!p0 s5, $0x0  }
0x1f: {  	s9 =	smul.u32 $0xF7A, s1;
	s8 =	simm.s32 @!p0 $0x1BF5;
	p2 =	por !p2, p0  }
0x20: {  	[sflag:s8] =	ssyncset.s32 @!p0 $0xFFFFF086;
	s6 =	sadd.s32 @!p0 s3, s7;
	s7 =	simm.s32 @!p0 $0x108  }
0x21: {  	s3 =	sadd.s32 s3, s9;
	s6 =	sadd.s32 @!p0 $0x88, s6;
	s7 =	simm.s32 @p2 $0x1082  }
0x22: {  	[simem:s7], [sflag:s8] =	dma.local @!p0 [hbm:s6], $0xF7A  }
0x23: {  	s9 =	sor.u32 $0xD0000000, s2;
	s6 =	simm.s32 $0x108;
	_ =	swait.ge @!p0 [sflag:s8], $0x0  }
0x24: {  	s3 =	sadd.s32 $0x88, s3;
	s6 =	simm.s32 @!p1 $0x1082;
	[sflag:s4] =	ssyncset.s32 $0xFFFFF086  }
0x25: {  	[simem:s6], [sflag:s4] =	dma.local [hbm:s3], $0xF7A  }
0x26: {  	[smem:$0x3F96] =	sst s1;
	(tag) =	ssettag s2;
	_ =	strace s9  }
0x27: {  	s1 =	sld [smem:$0x3FA6]  }
0x28: {  	s2 =	sld [smem:$0x3FA7]  }
0x29: {  	s4 =	sld [smem:$0x3FA9]  }
0x2a: {  	p0 =	seq.s32 s5, $0x0;
	s5 =	sld [smem:$0x3FAA]  }
0x2b: {  	s6 =	sld [smem:$0x3FAB]  }
0x2c: {  	s7 =	sld [smem:$0x3FAC]  }
0x2d: {  	s3 =	simm.s32 $0x108;
	s8 =	sld [smem:$0x3FAD]  }
0x2e: {  	s3 =	simm.s32 @!p0 $0x1082;
	s9 =	sld [smem:$0x3FAE]  }
0x2f: {  	lr =	sadd.s32 s0, s3;
	s0 =	sld [smem:$0x3FA5]  }
0x30: {  	s3 =	sld [smem:$0x3FA8]  }
0x31: {  	[smem:$0x3FB1] =	sst s10  }
0x32: {  	s10 =	sld [smem:$0x3FAF];
	_ =	sdelay $0x3  }
0x33: {  	p0 =	seq.s32 s10, $0x1;
	s10 =	sld [smem:$0x3FB1];
	_ =	sdelay $0x3  }
0x34: {  	[smem:$0x3FB1] =	sst s10  }
0x35: {  	s10 =	sld [smem:$0x3FB0];
	_ =	sdelay $0x3  }
0x36: {  	p1 =	seq.s32 s10, $0x1;
	s10 =	sld [smem:$0x3FB1];
	_ =	sdelay $0x3  }
0x37: {  	[smem:$0x3FB1] =	sst s10  }
0x38: {  	s10 =	sld [smem:$0x3FB2]  }
0x39: {  	_ = 	snop;
	(pc) =	sbr.ind lr, $3  }
0x3a: {  	_ = 	snop  }
0x3b: {  	_ = 	snop  }
0x3c: {  	p2 =	seq.s32 s10, $0x1;
	s10 =	sld [smem:$0x3FB1]  }
0x3d: {  	_ =	shalt  }
0x3e: {  	_ =	shalt  }
0x3f: {  	_ =	shalt  }
0x40: {  	_ =	shalt  }
0x41: {  	_ =	shalt  }
0x42: {  	_ =	shalt  }
0x43: {  	_ =	shalt  }
0x44: {  	_ =	shalt  }
0x45: {  	_ =	shalt  }
0x46: {  	_ =	shalt  }
0x47: {  	_ =	shalt  }
0x48: {  	_ =	shalt  }
0x49: {  	_ =	shalt  }
0x4a: {  	_ =	shalt  }
0x4b: {  	_ =	shalt  }
0x4c: {  	_ =	shalt  }
0x4d: {  	_ =	shalt  }
0x4e: {  	_ =	shalt  }
0x4f: {  	_ =	shalt  }
0x50: {  	_ =	shalt  }
0x51: {  	_ =	shalt  }
0x52: {  	_ =	shalt  }
0x53: {  	_ =	shalt  }
0x54: {  	_ =	shalt  }
0x55: {  	_ =	shalt  }
0x56: {  	_ =	shalt  }
0x57: {  	_ =	shalt  }
0x58: {  	_ =	shalt  }
0x59: {  	_ =	shalt  }
0x5a: {  	_ =	shalt  }
0x5b: {  	_ =	shalt  }
0x5c: {  	_ =	shalt  }
0x5d: {  	_ =	shalt  }
0x5e: {  	_ =	shalt  }
0x5f: {  	_ =	shalt  }
0x60: {  	_ =	shalt  }
0x61: {  	_ =	shalt  }
0x62: {  	_ =	shalt  }
0x63: {  	_ =	shalt  }
0x64: {  	_ =	shalt  }
0x65: {  	_ =	shalt  }
0x66: {  	_ =	shalt  }
0x67: {  	_ =	shalt  }
0x68: {  	_ =	shalt  }
0x69: {  	_ =	shalt  }
0x6a: {  	_ =	shalt  }
0x6b: {  	_ =	shalt  }
0x6c: {  	_ =	shalt  }
0x6d: {  	_ =	shalt  }
0x6e: {  	_ =	shalt  }
0x6f: {  	_ =	shalt  }
0x70: {  	_ =	shalt  }
0x71: {  	_ =	shalt  }
0x72: {  	_ =	shalt  }
0x73: {  	_ =	shalt  }
0x74: {  	_ =	shalt  }
0x75: {  	_ =	shalt  }
0x76: {  	_ =	shalt  }
0x77: {  	_ =	shalt  }
0x78: {  	_ =	shalt  }
0x79: {  	_ =	shalt  }
0x7a: {  	_ =	shalt  }
0x7b: {  	_ =	shalt  }
0x7c: {  	_ =	shalt  }
0x7d: {  	_ =	shalt  }
0x7e: {  	_ =	shalt  }
0x7f: {  	_ =	shalt  }
0x80: {  	_ =	shalt  }
0x81: {  	_ =	shalt  }
0x82: {  	_ =	shalt  }
0x83: {  	_ =	shalt  }
0x84: {  	_ =	shalt  }
0x85: {  	_ =	shalt  }
0x86: {  	_ =	shalt  }
0x87: {  	_ =	shalt  }
.Lfunc_end0:
.L_simem_size_0:
called_computation.2_lowered:
.L_overlay_start_0:
0x88: {  	s2 =	sld [smem:$0x3FD9]  }
0x89: {  	s3 =	sld [smem:$0x3FFE];
	_ =	sdelay $0x1  }
0x8a: {  	s1 =	srdreg.scid  }
0x8b: {  	s0 =	sand.u32 $0x1, s1  }
0x8c: {  	s17 =	sshll.u32 s0, $0xA;
	s2 =	sadd.s32 s3, s2  }
0x8d: {  	s2 =	sadd.s32 s2, s17  }
0x8e: {  	[smem:$0x3FBD] =	sst s2  }
0x8f: {  	_ = 	snop  }
0x90: {  	s2 =	sld [smem:$0x3FD0];
	(tm) =	ssettm $0x1  }
0x91: {  	s18 =	sld [smem:$0x3FFB];
	_ =	sdelay $0x3  }
0x92: {  	_ =	strace s18  }
0x93: {  	s3 =	sld [smem:$0x3FFC];
	_ =	sdelay $0x3  }
0x94: {  	_ =	strace s3  }
0x95: {  	s3 =	sld [smem:$0x3FFD];
	_ =	sdelay $0x3  }
0x96: {  	_ =	strace s3  }
0x97: {  	_ =	strace $0x8FFFFFFF  }
0x98: {  	s19 =	sld [smem:$0x3FDB];
	_ =	sdelay $0x1  }
0x99: {  	s4 =	simm.s32 $_scs_section_size  }
0x9a: {  	s5 =	simm.s32 $_size__tile_overlayer_lowered;
	s6 =	simm.s32 $_tile_overlayer_lowered  }
0x9b: {  	s22 =	simm.s32 $0x1BFF;
	s21 =	sshll.u32 s6, $0x1;
	s3 =	sadd.s32 s4, s19  }
0x9c: {  	s7 =	simm.s32 $0x0;
	s20 =	sshll.u32 s5, $0x1;
	s5 =	sadd.s32 s21, s3  }
0x9d: {  	[timem:s7], [sflag:s22] =	dma.local [hbm:s5], s20  }
0x9e: {  	_ =	swait.ge [sflag:s22], s20  }
0x9f: {  	s4 =	ssub.s32 $0x0, s20;
	[sflag:s22] =	ssyncset.done $0x0  }
0xa0: {  	[sflag:s22] =	ssyncadd.s32 s4;
	_ =	sdelay $0x1  }
0xa1: {  	s23 =	simm.s32 $0x1B8B  }
0xa2: {  	_ =	swait.ge [sflag:s23], $0x1  }
0xa3: {  	[sflag:s23] =	ssyncset.done $0x0  }
0xa4: {  	s25 =	simm.s32 $0x1B8E;
	s24 =	sld [smem:$0x3FFE];
	[sflag:s23] =	ssyncadd.s32 $0xFFFFFFFF  }
0xa5: {  	s26 =	simm.s32 $execute0_lowered;
	[smem:$0x3FD2] =	sst s25  }
0xa6: {  	s5 =	sshll.u32 s26, $0x1;
	_ =	strace $0x8000004C;
	[dreg:$0x1] =	wrdreg $0xFFFFFFFF  }
0xa7: {  	s28 =	simm.s32 $_size_execute0_lowered;
	s3 =	sadd.s32 s3, s5;
	[dreg:$0x0] =	wrdreg $0x0  }
0xa8: {  	s5 =	sshll.u32 s28, $0x1;
	[dreg:$0x2] =	wrdreg s3  }
0xa9: {  	[dreg:$0x3] =	wrdreg s5  }
0xaa: {  	[dreg:$0x4] =	wrdreg $0xC0  }
0xab: {  	_ =	task [dreg:s7], $0x5FFFF  }
0xac: {  	[dreg:$0x1] =	wrdreg $0xFFFFFFFF  }
0xad: {  	[dreg:$0x0] =	wrdreg $0x60  }
0xae: {  	[dreg:$0x2] =	wrdreg s2  }
0xaf: {  	[dreg:$0x3] =	wrdreg s24  }
0xb0: {  	[dreg:$0x4] =	wrdreg $0x90000  }
0xb1: {  	[dreg:$0x5] =	wrdreg $0x9  }
0xb2: {  	_ =	task.clear_ibuf [dreg:s7], $0x6FFFF;
	_ =	strace $0x9000004C  }
0xb3: {  	s29 =	simm.s32 $0x9;
	_ =	strace $0x8000004E  }
0xb4: {  	_ =	swait.ge [sflag:s29], $0x1  }
0xb5: {  	[sflag:s29] =	ssyncadd.s32 $0xFFFFFFFF  }
0xb6: {  	_ =	strace $0x9000004E  }
0xb7: {  	_ =	sfence  }
0xb8: {  	s30 =	sld [smem:$0x0];
	_ =	sdelay $0x2  }
0xb9: {  	s31 =	sshll.u32 s1, $0xD;
	s1 =	sshrl.u32 s1, $0x2  }
0xba: {  	s3 =	sand.u32 $0x4000, s31;
	s1 =	sadd.s32 s1, s30  }
0xbb: {  	s0 =	sor.u32 s3, s0;
	s1 =	sshll.u32 s1, $0x11  }
0xbc: {  	s0 =	sor.u32 s1, s0  }
0xbd: {  	s0 =	sadd.s32 $0x8F2B, s0  }
0xbe: {  	[sflag:s0] =	ssyncadd.remote.s32 $0x1  }
0xbf: {  	_ =	sfence.sel $0xFFFF  }
0xc0: {  	[dreg:$0x0] =	wrdreg $0xFFFFFFFF;
	(pc) =	sbr.abs _section_cstart, $3  }
0xc1: {  	[dreg:$0x1] =	wrdreg $0xFFFFFFFF  }
0xc2: {  	_ =	task.clear_ibuf [dreg:s7], $0x2FFFF;
	_ =	strace $0x9FFFFFFF  }
0xc3: {  	(tm) =	ssettm $0x7FFFFFFF  }
tec
execute0_lowered:
.L_overlay_start_1:
0x0: {  	(tag) =	ssettag $0x1  }
0x1: {  	s1 =	rddreg [dreg:$0x0]  }
0x2: {  	s0 =	srdreg.scid;
	s7 =	rddreg [dreg:$0x1]  }
0x3: {  	s3 =	rddreg [dreg:$0x2];
	s4 =	simm.s32 $0x0;
	s15 =	simm.s32 $0x1  }
0x4: {  	s16 =	simm.s32 $0x2800;
	s17 =	simm.s32 $0x5000;
	s6 =	sand.u32 $0x1, s0  }
0x5: {  	s18 =	simm.s32 $0x80;
	s0 =	stileid.u32;
	s8 =	smul.u32 $0x13C000, s6  }
0x6: {  	s21 =	simm.s32 $0x0;
	[smem:$0x7FF] =	sst s4;
	s9 =	smul.u32 $0x13C00, s0  }
0x7: {  	s2 =	sshll.u32 s6, $0x4;
	s29 =	smul.u32 $0x4F000, s0;
	s6 =	ssub.s32 $0x2, s6  }
0x8: {  	s19 =	sshll.u32 s0, $0x6;
	s2 =	sor.u32 s0, s2;
	s30 =	sshrl.u32 s6, $0x1  }
0x9: {  	s19 =	sor.u32 $0x1C01, s19;
	s5 =	smul.u32 $0x500, s2;
	s2 =	rddreg [dreg:$0x3]  }
0xa: {  	_ =	strace $0x8000004D;
	s8 =	sadd.s32 s9, s8;
	s14 =	ssub.s32 s6, s30  }
0xb: {  	s31 =	sshrl.u32 s29, $0x2;
	s8 =	sshrl.u32 s8, $0x3;
	s14 =	smax.u32 s14, $0x1  }
0xc: {  	s10 =	sadd.s32 s5, s7;
	s5 =	sadd.s32 $0x16C00, s7;
	s13 =	sadd.s32 s8, s7  }
0xd: {  	s7 =	sadd.s32 s31, s3;
	s6 =	sadd.s32 $0xCC00, s10;
	s8 =	sadd.s32 $0x2C00, s10  }
0xe: {  	s9 =	sadd.s32 $0x4000, s7;
	s10 =	sadd.s32 $0x8000, s7;
	s11 =	sadd.s32 $0xC000, s7  }
0xf: {  	s12 =	sadd.s32 $0x10000, s7;
	s13 =	sadd.s32 $0x17400, s13;
	s20 =	sshrl.u32 s7, $0x3  }
.LBB2_1:
0x10: {  	[tilespmem:s4], [sflag:$0x1] =	stream.linear.gather [hbm4b:s6+s4], $0x2800, $0x38;
	[tilespmem:$0x1CC00] =	vst v63  }
0x11: {  	_ =	swait.ge [sflag:s15], $0x2800  }
0x12: {  	[sflag:s15] =	ssyncset.done $0x0  }
0x13: {  	[sflag:s15] =	ssyncadd.s32 $0xFFFFD800  }
0x14: {  	[tilespmem:s16], [sflag:$0x1] =	stream.linear.gather [hbm4b:s8+s4], $0x2800, $0x38;
	[tilespmem:$0x1CC00] =	vst v63  }
0x15: {  	_ =	swait.ge [sflag:s15], $0x2800  }
0x16: {  	[sflag:s15] =	ssyncset.done $0x0  }
0x17: {  	[sflag:s15] =	ssyncadd.s32 $0xFFFFD800  }
0x18: {  	[tilespmem:s17], [sflag:$0x1] =	stream.linear.gather [hbm4b:s5+s4], $0x4000, $0x38;
	[tilespmem:$0x1CC00] =	vst v63  }
0x19: {  	_ =	swait.ge [sflag:s15], $0x4000  }
0x1a: {  	[sflag:s15] =	ssyncset.done $0x0  }
0x1b: {  	[sflag:s15] =	ssyncadd.s32 $0xFFFFC000  }
0x1c: {  	[spmem:s7] =	stream.linear.scatter [tilespmem:s17], [sflag:$0x1], $0x4000, $0x38;
	[tilespmem:$0x1CC00] =	vst v63  }
0x1d: {  	_ =	swait.ge [sflag:s15], $0x4000  }
0x1e: {  	[sflag:s15] =	ssyncset.done $0x0  }
0x1f: {  	[sflag:s15] =	ssyncadd.s32 $0xFFFFC000  }
0x20: {  	[spmem:s9] =	stream.linear.scatter [tilespmem:s17], [sflag:$0x1], $0x4000, $0x38;
	[tilespmem:$0x1CC00] =	vst v63  }
0x21: {  	_ =	swait.ge [sflag:s15], $0x4000  }
0x22: {  	[sflag:s15] =	ssyncset.done $0x0  }
0x23: {  	[sflag:s15] =	ssyncadd.s32 $0xFFFFC000  }
0x24: {  	[spmem:s10] =	stream.linear.scatter [tilespmem:s17], [sflag:$0x1], $0x4000, $0x38;
	[tilespmem:$0x1CC00] =	vst v63  }
0x25: {  	_ =	swait.ge [sflag:s15], $0x4000  }
0x26: {  	[sflag:s15] =	ssyncset.done $0x0  }
0x27: {  	[sflag:s15] =	ssyncadd.s32 $0xFFFFC000  }
0x28: {  	[spmem:s11] =	stream.linear.scatter [tilespmem:s17], [sflag:$0x1], $0x4000, $0x38;
	[tilespmem:$0x1CC00] =	vst v63  }
0x29: {  	_ =	swait.ge [sflag:s15], $0x4000  }
0x2a: {  	[sflag:s15] =	ssyncset.done $0x0  }
0x2b: {  	[sflag:s15] =	ssyncadd.s32 $0xFFFFC000  }
0x2c: {  	[spmem:s12] =	stream.linear.scatter [tilespmem:s17], [sflag:$0x1], $0x3C00, $0x38;
	[tilespmem:$0x1CC00] =	vst v63  }
0x2d: {  	_ =	swait.ge [sflag:s15], $0x3C00  }
0x2e: {  	[sflag:s15] =	ssyncset.done $0x0  }
0x2f: {  	[sflag:s15] =	ssyncadd.s32 $0xFFFFC400  }
0x30: {  	s22 =	simm.s32 $0x0;
	[bflag:$0x0] =	sbarrier.arrive $0xFFFF  }
0x31: {  	[tilespmem:s17], [sflag:$0x1] =	stream.indirect.gather [hbm4b:s1+s18], $0x80, s22, s18, $0xb8;
	[tilespmem:$0x1CC00] =	vst v63  }
0x32: {  	_ =	swait.ge [sflag:s15], $0x4000  }
0x33: {  	[sflag:s15] =	ssyncset.done $0x0  }
0x34: {  	s31 =	simm.s32 $0x2800;
	[sflag:s15] =	ssyncadd.s32 $0xFFFFC000  }
0x35: {  	[spmem:s3] =	stream.indirect.scatter.add.f32 [tilespmem:s17], [sflag:$0x1], $0x80, s31, s18, $0xb8;
	[tilespmem:$0x1CC00] =	vst v63  }
0x36: {  	_ =	swait.ge [sflag:s15], $0x4000  }
0x37: {  	s23 =	simm.s32 $0x400;
	s22 =	simm.s32 $0x200;
	[sflag:s15] =	ssyncset.done $0x0  }
.LBB2_2:
0x38: {  	s24 =	sshra.s32 s22, $0x2  }
0x39: {  	[sflag:s15] =	ssyncadd.s32 $0xFFFFC000;
	s22 =	smov.u32 s23;
	s25 =	sadd.s32 $0x200, s23  }
0x3a: {  	[tilespmem:s17], [sflag:$0x1] =	stream.indirect.gather [hbm4b:s1+s18], $0x80, s24, s18, $0xb8;
	[tilespmem:$0x1CC00] =	vst v63  }
0x3b: {  	p0 =	sne.s32 s23, $0x9E00;
	_ =	swait.ge [sflag:s15], $0x4000  }
.Ltmp0:
0x3c: {  	[sflag:s15] =	ssyncset.done $0x0;
	(pc) =	sbr.rel @p0 .LBB2_2-.Ltmp0, $4  }
0x3d: {  	s23 =	sadd.s32 $0x2800, s24;
	[sflag:s15] =	ssyncadd.s32 $0xFFFFC000  }
0x3e: {  	[spmem:s3] =	stream.indirect.scatter.add.f32 [tilespmem:s17], [sflag:$0x1], $0x80, s23, s18, $0xb8;
	[tilespmem:$0x1CC00] =	vst v63  }
0x3f: {  	_ =	swait.ge [sflag:s15], $0x4000  }
0x40: {  	s23 =	smov.u32 s25;
	[sflag:s15] =	ssyncset.done $0x0  }
0x41: {  	s22 =	sshra.s32 s22, $0x2;
	[sflag:s15] =	ssyncadd.s32 $0xFFFFC000  }
0x42: {  	[tilespmem:s17], [sflag:$0x1] =	stream.indirect.gather [hbm4b:s1+s18], $0x80, s22, s18, $0xb8;
	[tilespmem:$0x1CC00] =	vst v63  }
0x43: {  	_ =	swait.ge [sflag:s15], $0x4000  }
0x44: {  	[sflag:s15] =	ssyncset.done $0x0  }
0x45: {  	s22 =	sadd.s32 $0x2800, s22;
	[sflag:s15] =	ssyncadd.s32 $0xFFFFC000  }
0x46: {  	[spmem:s3] =	stream.indirect.scatter.add.f32 [tilespmem:s17], [sflag:$0x1], $0x80, s22, s18, $0xb8;
	[tilespmem:$0x1CC00] =	vst v63  }
0x47: {  	_ =	swait.ge [sflag:s15], $0x4000  }
0x48: {  	s21 =	sadd.s32 $0x1, s21;
	[sflag:s15] =	ssyncset.done $0x0  }
0x49: {  	p0 =	sne.s32 s21, s14;
	[sflag:s15] =	ssyncadd.s32 $0xFFFFC000  }
.Ltmp1:
0x4a: {  	[bflag:$0x0] =	sbarrier.arrive $0xFFFF;
	(pc) =	sbr.rel @p0 .LBB2_1-.Ltmp1, $4  }
0x4b: {  	[hbm:s13], [sflag:s19] =	dma.local [spmem:s20], $0x2780  }
0x4c: {  	_ =	swait.ge [sflag:s15], $0x2780  }
0x4d: {  	[sflag:s15] =	ssyncset.done $0x0  }
0x4e: {  	[sflag:s15] =	ssyncadd.s32 $0xFFFFD880  }
0x4f: {  	_ =	sfence.sel $0x180000  }
0x50: {  	[bflag:$0x0] =	sbarrier.arrive $0xFFFF  }
0x51: {  	p0 =	sne.s32 s0, $0x0;
	_ =	strace $0x9000004D  }
0x52: {  	s0 =	sadd.s32 @!p0 $0x100000, s2;
	[bflag:$0x2] =	sbarrier.arrive $0xFFFF  }
0x53: {  	[sflag:s0] =	ssyncadd.tile.s32 @!p0 $0x1;
	_ =	shalt  }
.Lfunc_end2:
_tile_overlayer_lowered:
.L_overlay_start_2:
0x54: {  	(tag) =	ssettag $0x2  }
0x55: {  	s0 =	rddreg [dreg:$0x0];
	s2 =	stileid.u32  }
0x56: {  	s1 =	rddreg [dreg:$0x1];
	p0 =	sne.s32 s2, $0x0  }
0x57: {  	s3 =	rddreg [dreg:$0x2];
	[bflag:$0x3] =	sbarrier.arrive $0xFFFF;
	s2 =	simm.s32 @!p0 $0x1C01  }
0x58: {  	[timem:s3], [sflag:s2] =	dma.local @!p0 [hbm:s0], s1  }
0x59: {  	s0 =	simm.s32 @!p0 $0x1  }
0x5a: {  	_ =	swait.ge @!p0 [sflag:s0], s1  }
0x5b: {  	s1 =	ssub.s32 @!p0 $0x0, s1;
	[sflag:s0] =	ssyncset.done @!p0 $0x0  }
0x5c: {  	[sflag:s0] =	ssyncadd.s32 @!p0 s1  }
0x5d: {  	[bflag:$0x3] =	sbarrier.arrive $0xFFFF  }
0x5e: {  	_ =	shalt  }

// kernel: kernel.9.cloned.1.call-start
scs
__scs_entry_jumppad:
0x0: {  	(pc) =	sbr.rel $0x88, $3  }
0x1: {  	(tag) =	ssettag $0x0;
	lr =	simm.s32 $0x1  }
0x2: {  	[smem:$0x3F96] =	sst lr;
	_ =	strace $0xD0000000  }
0x3: {  	_ = 	snop  }
0x4: {  	_ = 	snop  }
0x5: {  	_ = 	snop  }
0x6: {  	_ = 	snop  }
0x7: {  	_ = 	snop  }
__scs_overlays_trampoline_lowered:
0x8: {  	[smem:$0x3FA5] =	sst s0  }
0x9: {  	[smem:$0x3FA6] =	sst s1  }
0xa: {  	[smem:$0x3FA7] =	sst s2  }
0xb: {  	[smem:$0x3FA8] =	sst s3  }
0xc: {  	[smem:$0x3FA9] =	sst s4  }
0xd: {  	[smem:$0x3FAA] =	sst s5  }
0xe: {  	[smem:$0x3FAB] =	sst s6  }
0xf: {  	[smem:$0x3FAC] =	sst s7  }
0x10: {  	[smem:$0x3FAD] =	sst s8  }
0x11: {  	[smem:$0x3FAE] =	sst s9;
	s0 =	simm.s32 @!p0 $0x0  }
0x12: {  	s1 =	sld [smem:$0x3F94];
	s0 =	simm.s32 @p0 $0x1  }
0x13: {  	[smem:$0x3FAF] =	sst s0;
	s0 =	simm.s32 @!p1 $0x0  }
0x14: {  	s2 =	sld [smem:$0x3F93];
	s0 =	simm.s32 @p1 $0x1  }
0x15: {  	[smem:$0x3FB0] =	sst s0;
	s0 =	simm.s32 @!p2 $0x0  }
0x16: {  	s3 =	sld [smem:$0x3FDB];
	s0 =	simm.s32 @p2 $0x1  }
0x17: {  	s4 =	simm.s32 $0x1BF5;
	[smem:$0x3FB2] =	sst s0  }
0x18: {  	s0 =	sld [smem:$0x3F95];
	_ =	swait.ge [sflag:s4], $0x0  }
0x19: {  	s7 =	sld [smem:$0x3F96]  }
0x1a: {  	s8 =	sadd.s32 $0xFFFFE003, lr  }
0x1b: {  	s9 =	sadd.s32 $0xFFFFFEF7, lr;
	s5 =	simm.s32 $0xFFFFFFFF;
	p2 =	slt.u32 s8, $0xFFFFF086  }
0x1c: {  	p1 =	slt.u32 s9, $0xF7A;
	s5 =	simm.s32 @!p2 $0x0  }
0x1d: {  	s5 =	simm.s32 @p1 $0x1;
	p0 =	seq.s32 s7, s2  }
0x1e: {  	s7 =	smul.u32 @!p0 $0xF7A, s2;
	p2 =	seq.s32 @!p0 s5, $0x0  }
0x1f: {  	s9 =	smul.u32 $0xF7A, s1;
	s8 =	simm.s32 @!p0 $0x1BF5;
	p2 =	por !p2, p0  }
0x20: {  	[sflag:s8] =	ssyncset.s32 @!p0 $0xFFFFF086;
	s6 =	sadd.s32 @!p0 s3, s7;
	s7 =	simm.s32 @!p0 $0x108  }
0x21: {  	s3 =	sadd.s32 s3, s9;
	s6 =	sadd.s32 @!p0 $0x88, s6;
	s7 =	simm.s32 @p2 $0x1082  }
0x22: {  	[simem:s7], [sflag:s8] =	dma.local @!p0 [hbm:s6], $0xF7A  }
0x23: {  	s9 =	sor.u32 $0xD0000000, s2;
	s6 =	simm.s32 $0x108;
	_ =	swait.ge @!p0 [sflag:s8], $0x0  }
0x24: {  	s3 =	sadd.s32 $0x88, s3;
	s6 =	simm.s32 @!p1 $0x1082;
	[sflag:s4] =	ssyncset.s32 $0xFFFFF086  }
0x25: {  	[simem:s6], [sflag:s4] =	dma.local [hbm:s3], $0xF7A  }
0x26: {  	[smem:$0x3F96] =	sst s1;
	(tag) =	ssettag s2;
	_ =	strace s9  }
0x27: {  	s1 =	sld [smem:$0x3FA6]  }
0x28: {  	s2 =	sld [smem:$0x3FA7]  }
0x29: {  	s4 =	sld [smem:$0x3FA9]  }
0x2a: {  	p0 =	seq.s32 s5, $0x0;
	s5 =	sld [smem:$0x3FAA]  }
0x2b: {  	s6 =	sld [smem:$0x3FAB]  }
0x2c: {  	s7 =	sld [smem:$0x3FAC]  }
0x2d: {  	s3 =	simm.s32 $0x108;
	s8 =	sld [smem:$0x3FAD]  }
0x2e: {  	s3 =	simm.s32 @!p0 $0x1082;
	s9 =	sld [smem:$0x3FAE]  }
0x2f: {  	lr =	sadd.s32 s0, s3;
	s0 =	sld [smem:$0x3FA5]  }
0x30: {  	s3 =	sld [smem:$0x3FA8]  }
0x31: {  	[smem:$0x3FB1] =	sst s10  }
0x32: {  	s10 =	sld [smem:$0x3FAF];
	_ =	sdelay $0x3  }
0x33: {  	p0 =	seq.s32 s10, $0x1;
	s10 =	sld [smem:$0x3FB1];
	_ =	sdelay $0x3  }
0x34: {  	[smem:$0x3FB1] =	sst s10  }
0x35: {  	s10 =	sld [smem:$0x3FB0];
	_ =	sdelay $0x3  }
0x36: {  	p1 =	seq.s32 s10, $0x1;
	s10 =	sld [smem:$0x3FB1];
	_ =	sdelay $0x3  }
0x37: {  	[smem:$0x3FB1] =	sst s10  }
0x38: {  	s10 =	sld [smem:$0x3FB2]  }
0x39: {  	_ = 	snop;
	(pc) =	sbr.ind lr, $3  }
0x3a: {  	_ = 	snop  }
0x3b: {  	_ = 	snop  }
0x3c: {  	p2 =	seq.s32 s10, $0x1;
	s10 =	sld [smem:$0x3FB1]  }
0x3d: {  	_ =	shalt  }
0x3e: {  	_ =	shalt  }
0x3f: {  	_ =	shalt  }
0x40: {  	_ =	shalt  }
0x41: {  	_ =	shalt  }
0x42: {  	_ =	shalt  }
0x43: {  	_ =	shalt  }
0x44: {  	_ =	shalt  }
0x45: {  	_ =	shalt  }
0x46: {  	_ =	shalt  }
0x47: {  	_ =	shalt  }
0x48: {  	_ =	shalt  }
0x49: {  	_ =	shalt  }
0x4a: {  	_ =	shalt  }
0x4b: {  	_ =	shalt  }
0x4c: {  	_ =	shalt  }
0x4d: {  	_ =	shalt  }
0x4e: {  	_ =	shalt  }
0x4f: {  	_ =	shalt  }
0x50: {  	_ =	shalt  }
0x51: {  	_ =	shalt  }
0x52: {  	_ =	shalt  }
0x53: {  	_ =	shalt  }
0x54: {  	_ =	shalt  }
0x55: {  	_ =	shalt  }
0x56: {  	_ =	shalt  }
0x57: {  	_ =	shalt  }
0x58: {  	_ =	shalt  }
0x59: {  	_ =	shalt  }
0x5a: {  	_ =	shalt  }
0x5b: {  	_ =	shalt  }
0x5c: {  	_ =	shalt  }
0x5d: {  	_ =	shalt  }
0x5e: {  	_ =	shalt  }
0x5f: {  	_ =	shalt  }
0x60: {  	_ =	shalt  }
0x61: {  	_ =	shalt  }
0x62: {  	_ =	shalt  }
0x63: {  	_ =	shalt  }
0x64: {  	_ =	shalt  }
0x65: {  	_ =	shalt  }
0x66: {  	_ =	shalt  }
0x67: {  	_ =	shalt  }
0x68: {  	_ =	shalt  }
0x69: {  	_ =	shalt  }
0x6a: {  	_ =	shalt  }
0x6b: {  	_ =	shalt  }
0x6c: {  	_ =	shalt  }
0x6d: {  	_ =	shalt  }
0x6e: {  	_ =	shalt  }
0x6f: {  	_ =	shalt  }
0x70: {  	_ =	shalt  }
0x71: {  	_ =	shalt  }
0x72: {  	_ =	shalt  }
0x73: {  	_ =	shalt  }
0x74: {  	_ =	shalt  }
0x75: {  	_ =	shalt  }
0x76: {  	_ =	shalt  }
0x77: {  	_ =	shalt  }
0x78: {  	_ =	shalt  }
0x79: {  	_ =	shalt  }
0x7a: {  	_ =	shalt  }
0x7b: {  	_ =	shalt  }
0x7c: {  	_ =	shalt  }
0x7d: {  	_ =	shalt  }
0x7e: {  	_ =	shalt  }
0x7f: {  	_ =	shalt  }
0x80: {  	_ =	shalt  }
0x81: {  	_ =	shalt  }
0x82: {  	_ =	shalt  }
0x83: {  	_ =	shalt  }
0x84: {  	_ =	shalt  }
0x85: {  	_ =	shalt  }
0x86: {  	_ =	shalt  }
0x87: {  	_ =	shalt  }
.Lfunc_end0:
.L_simem_size_0:
called_computation_lowered:
.L_overlay_start_0:
0x88: {  	s2 =	sld [smem:$0x3FD9]  }
0x89: {  	s3 =	sld [smem:$0x3FFE];
	_ =	sdelay $0x1  }
0x8a: {  	s1 =	srdreg.scid  }
0x8b: {  	s0 =	sand.u32 $0x1, s1  }
0x8c: {  	s17 =	sshll.u32 s0, $0xA;
	s2 =	sadd.s32 s3, s2  }
0x8d: {  	s2 =	sadd.s32 s2, s17  }
0x8e: {  	[smem:$0x3FBD] =	sst s2  }
0x8f: {  	_ = 	snop  }
0x90: {  	s2 =	sld [smem:$0x3FD0];
	(tm) =	ssettm $0x1  }
0x91: {  	s18 =	sld [smem:$0x3FFB];
	_ =	sdelay $0x3  }
0x92: {  	_ =	strace s18  }
0x93: {  	s3 =	sld [smem:$0x3FFC];
	_ =	sdelay $0x3  }
0x94: {  	_ =	strace s3  }
0x95: {  	s3 =	sld [smem:$0x3FFD];
	_ =	sdelay $0x3  }
0x96: {  	_ =	strace s3  }
0x97: {  	_ =	strace $0x8FFFFFFF  }
0x98: {  	s19 =	sld [smem:$0x3FDB];
	_ =	sdelay $0x1  }
0x99: {  	s4 =	simm.s32 $_scs_section_size  }
0x9a: {  	s5 =	simm.s32 $_size__tile_overlayer_lowered;
	s6 =	simm.s32 $_tile_overlayer_lowered  }
0x9b: {  	s22 =	simm.s32 $0x1BFF;
	s21 =	sshll.u32 s6, $0x1;
	s3 =	sadd.s32 s4, s19  }
0x9c: {  	s7 =	simm.s32 $0x0;
	s20 =	sshll.u32 s5, $0x1;
	s5 =	sadd.s32 s21, s3  }
0x9d: {  	[timem:s7], [sflag:s22] =	dma.local [hbm:s5], s20  }
0x9e: {  	_ =	swait.ge [sflag:s22], s20  }
0x9f: {  	s4 =	ssub.s32 $0x0, s20;
	[sflag:s22] =	ssyncset.done $0x0  }
0xa0: {  	[sflag:s22] =	ssyncadd.s32 s4;
	_ =	sdelay $0x1  }
0xa1: {  	s23 =	simm.s32 $0x1B8B  }
0xa2: {  	_ =	swait.ge [sflag:s23], $0x1  }
0xa3: {  	[sflag:s23] =	ssyncset.done $0x0  }
0xa4: {  	s25 =	simm.s32 $0x1B8E;
	s24 =	sld [smem:$0x3FFE];
	[sflag:s23] =	ssyncadd.s32 $0xFFFFFFFF  }
0xa5: {  	s26 =	simm.s32 $execute0_lowered;
	[smem:$0x3FD2] =	sst s25  }
0xa6: {  	s5 =	sshll.u32 s26, $0x1;
	_ =	strace $0x80000046;
	[dreg:$0x1] =	wrdreg $0xFFFFFFFF  }
0xa7: {  	s28 =	simm.s32 $_size_execute0_lowered;
	s3 =	sadd.s32 s3, s5;
	[dreg:$0x0] =	wrdreg $0x0  }
0xa8: {  	s5 =	sshll.u32 s28, $0x1;
	[dreg:$0x2] =	wrdreg s3  }
0xa9: {  	[dreg:$0x3] =	wrdreg s5  }
0xaa: {  	[dreg:$0x4] =	wrdreg $0xC0  }
0xab: {  	_ =	task [dreg:s7], $0x5FFFF  }
0xac: {  	[dreg:$0x1] =	wrdreg $0xFFFFFFFF  }
0xad: {  	[dreg:$0x0] =	wrdreg $0x60  }
0xae: {  	[dreg:$0x2] =	wrdreg s2  }
0xaf: {  	[dreg:$0x3] =	wrdreg s24  }
0xb0: {  	[dreg:$0x4] =	wrdreg $0x90000  }
0xb1: {  	[dreg:$0x5] =	wrdreg $0x9  }
0xb2: {  	_ =	task.clear_ibuf [dreg:s7], $0x6FFFF;
	_ =	strace $0x90000046  }
0xb3: {  	s29 =	simm.s32 $0x9;
	_ =	strace $0x80000048  }
0xb4: {  	_ =	swait.ge [sflag:s29], $0x1  }
0xb5: {  	[sflag:s29] =	ssyncadd.s32 $0xFFFFFFFF  }
0xb6: {  	_ =	strace $0x90000048  }
0xb7: {  	_ =	sfence  }
0xb8: {  	s30 =	sld [smem:$0x0];
	_ =	sdelay $0x2  }
0xb9: {  	s31 =	sshll.u32 s1, $0xD;
	s1 =	sshrl.u32 s1, $0x2  }
0xba: {  	s3 =	sand.u32 $0x4000, s31;
	s1 =	sadd.s32 s1, s30  }
0xbb: {  	s0 =	sor.u32 s3, s0;
	s1 =	sshll.u32 s1, $0x11  }
0xbc: {  	s0 =	sor.u32 s1, s0  }
0xbd: {  	s0 =	sadd.s32 $0x8F2B, s0  }
0xbe: {  	[sflag:s0] =	ssyncadd.remote.s32 $0x1  }
0xbf: {  	_ =	sfence.sel $0xFFFF  }
0xc0: {  	[dreg:$0x0] =	wrdreg $0xFFFFFFFF;
	(pc) =	sbr.abs _section_cstart, $3  }
0xc1: {  	[dreg:$0x1] =	wrdreg $0xFFFFFFFF  }
0xc2: {  	_ =	task.clear_ibuf [dreg:s7], $0x2FFFF;
	_ =	strace $0x9FFFFFFF  }
0xc3: {  	(tm) =	ssettm $0x7FFFFFFF  }
tec
execute0_lowered:
.L_overlay_start_1:
0x0: {  	(tag) =	ssettag $0x1  }
0x1: {  	s1 =	rddreg [dreg:$0x0]  }
0x2: {  	s7 =	rddreg [dreg:$0x1]  }
0x3: {  	s0 =	srdreg.scid;
	s3 =	rddreg [dreg:$0x2];
	s4 =	simm.s32 $0x0  }
0x4: {  	s17 =	simm.s32 $0x1;
	s18 =	simm.s32 $0x2800;
	s19 =	simm.s32 $0x5000  }
0x5: {  	s20 =	simm.s32 $0x80;
	s6 =	sand.u32 $0x1, s0;
	s0 =	stileid.u32  }
0x6: {  	s23 =	simm.s32 $0x0;
	[smem:$0x7FF] =	sst s4;
	s8 =	smul.u32 $0x13C000, s6  }
0x7: {  	s2 =	sshll.u32 s6, $0x4;
	s9 =	smul.u32 $0x13C00, s0;
	s30 =	ssub.s32 $0x2, s6  }
0x8: {  	s11 =	smul.u32 $0x4F000, s0;
	s6 =	sadd.s32 $0x17400, s7;
	s21 =	sshll.u32 s0, $0x6  }
0x9: {  	s2 =	sor.u32 s0, s2;
	s12 =	sshrl.u32 s30, $0x1;
	s21 =	sor.u32 $0x1C01, s21  }
0xa: {  	s5 =	smul.u32 $0x500, s2;
	s2 =	rddreg [dreg:$0x3];
	_ =	strace $0x80000047  }
0xb: {  	s8 =	sadd.s32 s9, s8;
	s16 =	ssub.s32 s30, s12;
	s31 =	sshrl.u32 s11, $0x2  }
0xc: {  	s8 =	sshrl.u32 s8, $0x3;
	s9 =	sadd.s32 s31, s3;
	s16 =	smax.u32 s16, $0x1  }
0xd: {  	s10 =	sadd.s32 s5, s7;
	s5 =	sadd.s32 $0x16C00, s7;
	s15 =	sadd.s32 s8, s7  }
0xe: {  	s11 =	sadd.s32 $0x8000, s9;
	s12 =	sadd.s32 $0xC000, s9;
	s13 =	sadd.s32 $0x10000, s9  }
0xf: {  	s22 =	sshrl.u32 s9, $0x3;
	s7 =	sadd.s32 $0xCC00, s10;
	s8 =	sadd.s32 $0x2C00, s10  }
0x10: {  	s10 =	sadd.s32 $0x4000, s9;
	s14 =	sadd.s32 $0x17C00, s15;
	s15 =	sadd.s32 $0x66C00, s15  }
.LBB2_1:
0x11: {  	[tilespmem:s4], [sflag:$0x1] =	stream.linear.gather [hbm4b:s7+s4], $0x2800, $0x38;
	[tilespmem:$0x1CC00] =	vst v63  }
0x12: {  	_ =	swait.ge [sflag:s17], $0x2800  }
0x13: {  	[sflag:s17] =	ssyncset.done $0x0  }
0x14: {  	[sflag:s17] =	ssyncadd.s32 $0xFFFFD800  }
0x15: {  	[tilespmem:s18], [sflag:$0x1] =	stream.linear.gather [hbm4b:s8+s4], $0x2800, $0x38;
	[tilespmem:$0x1CC00] =	vst v63  }
0x16: {  	_ =	swait.ge [sflag:s17], $0x2800  }
0x17: {  	[sflag:s17] =	ssyncset.done $0x0  }
0x18: {  	[sflag:s17] =	ssyncadd.s32 $0xFFFFD800  }
0x19: {  	[tilespmem:s19], [sflag:$0x1] =	stream.linear.gather [hbm4b:s5+s4], $0x4000, $0x38;
	[tilespmem:$0x1CC00] =	vst v63  }
0x1a: {  	_ =	swait.ge [sflag:s17], $0x4000  }
0x1b: {  	[sflag:s17] =	ssyncset.done $0x0  }
0x1c: {  	[sflag:s17] =	ssyncadd.s32 $0xFFFFC000  }
0x1d: {  	[spmem:s9] =	stream.linear.scatter [tilespmem:s19], [sflag:$0x1], $0x4000, $0x38;
	[tilespmem:$0x1CC00] =	vst v63  }
0x1e: {  	_ =	swait.ge [sflag:s17], $0x4000  }
0x1f: {  	[sflag:s17] =	ssyncset.done $0x0  }
0x20: {  	[sflag:s17] =	ssyncadd.s32 $0xFFFFC000  }
0x21: {  	[spmem:s10] =	stream.linear.scatter [tilespmem:s19], [sflag:$0x1], $0x4000, $0x38;
	[tilespmem:$0x1CC00] =	vst v63  }
0x22: {  	_ =	swait.ge [sflag:s17], $0x4000  }
0x23: {  	[sflag:s17] =	ssyncset.done $0x0  }
0x24: {  	[sflag:s17] =	ssyncadd.s32 $0xFFFFC000  }
0x25: {  	[spmem:s11] =	stream.linear.scatter [tilespmem:s19], [sflag:$0x1], $0x4000, $0x38;
	[tilespmem:$0x1CC00] =	vst v63  }
0x26: {  	_ =	swait.ge [sflag:s17], $0x4000  }
0x27: {  	[sflag:s17] =	ssyncset.done $0x0  }
0x28: {  	[sflag:s17] =	ssyncadd.s32 $0xFFFFC000  }
0x29: {  	[spmem:s12] =	stream.linear.scatter [tilespmem:s19], [sflag:$0x1], $0x4000, $0x38;
	[tilespmem:$0x1CC00] =	vst v63  }
0x2a: {  	_ =	swait.ge [sflag:s17], $0x4000  }
0x2b: {  	[sflag:s17] =	ssyncset.done $0x0  }
0x2c: {  	[sflag:s17] =	ssyncadd.s32 $0xFFFFC000  }
0x2d: {  	[spmem:s13] =	stream.linear.scatter [tilespmem:s19], [sflag:$0x1], $0x3C00, $0x38;
	[tilespmem:$0x1CC00] =	vst v63  }
0x2e: {  	_ =	swait.ge [sflag:s17], $0x3C00  }
0x2f: {  	[sflag:s17] =	ssyncset.done $0x0  }
0x30: {  	[sflag:s17] =	ssyncadd.s32 $0xFFFFC400  }
0x31: {  	s24 =	simm.s32 $0x0;
	[bflag:$0x0] =	sbarrier.arrive $0xFFFF  }
0x32: {  	[tilespmem:s19], [sflag:$0x1] =	stream.indirect.gather [hbm4b:s1+s20], $0x80, s24, s20, $0xb8;
	[tilespmem:$0x1CC00] =	vst v63  }
0x33: {  	_ =	swait.ge [sflag:s17], $0x4000  }
0x34: {  	[sflag:s17] =	ssyncset.done $0x0  }
0x35: {  	s31 =	simm.s32 $0x2800;
	[sflag:s17] =	ssyncadd.s32 $0xFFFFC000  }
0x36: {  	[spmem:s3] =	stream.indirect.scatter.add.f32 [tilespmem:s19], [sflag:$0x1], $0x80, s31, s20, $0xb8;
	[tilespmem:$0x1CC00] =	vst v63  }
0x37: {  	_ =	swait.ge [sflag:s17], $0x4000  }
0x38: {  	s25 =	simm.s32 $0x400;
	s24 =	simm.s32 $0x200;
	[sflag:s17] =	ssyncset.done $0x0  }
.LBB2_2:
0x39: {  	s26 =	sshra.s32 s24, $0x2  }
0x3a: {  	[sflag:s17] =	ssyncadd.s32 $0xFFFFC000;
	s24 =	smov.u32 s25;
	s28 =	sadd.s32 $0x200, s25  }
0x3b: {  	[tilespmem:s19], [sflag:$0x1] =	stream.indirect.gather [hbm4b:s1+s20], $0x80, s26, s20, $0xb8;
	[tilespmem:$0x1CC00] =	vst v63  }
0x3c: {  	p0 =	sne.s32 s25, $0x9E00;
	_ =	swait.ge [sflag:s17], $0x4000  }
.Ltmp0:
0x3d: {  	[sflag:s17] =	ssyncset.done $0x0;
	(pc) =	sbr.rel @p0 .LBB2_2-.Ltmp0, $4  }
0x3e: {  	s25 =	sadd.s32 $0x2800, s26;
	[sflag:s17] =	ssyncadd.s32 $0xFFFFC000  }
0x3f: {  	[spmem:s3] =	stream.indirect.scatter.add.f32 [tilespmem:s19], [sflag:$0x1], $0x80, s25, s20, $0xb8;
	[tilespmem:$0x1CC00] =	vst v63  }
0x40: {  	_ =	swait.ge [sflag:s17], $0x4000  }
0x41: {  	s25 =	smov.u32 s28;
	[sflag:s17] =	ssyncset.done $0x0  }
0x42: {  	s24 =	sshra.s32 s24, $0x2;
	[sflag:s17] =	ssyncadd.s32 $0xFFFFC000  }
0x43: {  	[tilespmem:s19], [sflag:$0x1] =	stream.indirect.gather [hbm4b:s1+s20], $0x80, s24, s20, $0xb8;
	[tilespmem:$0x1CC00] =	vst v63  }
0x44: {  	_ =	swait.ge [sflag:s17], $0x4000  }
0x45: {  	[sflag:s17] =	ssyncset.done $0x0  }
0x46: {  	s24 =	sadd.s32 $0x2800, s24;
	[sflag:s17] =	ssyncadd.s32 $0xFFFFC000  }
0x47: {  	[spmem:s3] =	stream.indirect.scatter.add.f32 [tilespmem:s19], [sflag:$0x1], $0x80, s24, s20, $0xb8;
	[tilespmem:$0x1CC00] =	vst v63  }
0x48: {  	_ =	swait.ge [sflag:s17], $0x4000  }
0x49: {  	[sflag:s17] =	ssyncset.done $0x0  }
0x4a: {  	[sflag:s17] =	ssyncadd.s32 $0xFFFFC000  }
0x4b: {  	[bflag:$0x0] =	sbarrier.arrive $0xFFFF  }
0x4c: {  	[hbm:s14], [sflag:s21] =	dma.local [spmem:s22], $0x2780  }
0x4d: {  	_ =	swait.ge [sflag:s17], $0x2780  }
0x4e: {  	[sflag:s17] =	ssyncset.done $0x0  }
0x4f: {  	s30 =	simm.s32 $0x0;
	[sflag:s17] =	ssyncadd.s32 $0xFFFFD880  }
0x50: {  	[tilespmem:s19], [sflag:$0x1] =	stream.linear.gather [hbm4b:s5+s30], $0x4000, $0x38;
	[tilespmem:$0x1CC00] =	vst v63  }
0x51: {  	_ =	swait.ge [sflag:s17], $0x4000  }
0x52: {  	[sflag:s17] =	ssyncset.done $0x0  }
0x53: {  	[sflag:s17] =	ssyncadd.s32 $0xFFFFC000  }
0x54: {  	[spmem:s9] =	stream.linear.scatter [tilespmem:s19], [sflag:$0x1], $0x4000, $0x38;
	[tilespmem:$0x1CC00] =	vst v63  }
0x55: {  	_ =	swait.ge [sflag:s17], $0x4000  }
0x56: {  	[sflag:s17] =	ssyncset.done $0x0  }
0x57: {  	[sflag:s17] =	ssyncadd.s32 $0xFFFFC000  }
0x58: {  	[spmem:s10] =	stream.linear.scatter [tilespmem:s19], [sflag:$0x1], $0x4000, $0x38;
	[tilespmem:$0x1CC00] =	vst v63  }
0x59: {  	_ =	swait.ge [sflag:s17], $0x4000  }
0x5a: {  	[sflag:s17] =	ssyncset.done $0x0  }
0x5b: {  	[sflag:s17] =	ssyncadd.s32 $0xFFFFC000  }
0x5c: {  	[spmem:s11] =	stream.linear.scatter [tilespmem:s19], [sflag:$0x1], $0x4000, $0x38;
	[tilespmem:$0x1CC00] =	vst v63  }
0x5d: {  	_ =	swait.ge [sflag:s17], $0x4000  }
0x5e: {  	[sflag:s17] =	ssyncset.done $0x0  }
0x5f: {  	[sflag:s17] =	ssyncadd.s32 $0xFFFFC000  }
0x60: {  	[spmem:s12] =	stream.linear.scatter [tilespmem:s19], [sflag:$0x1], $0x4000, $0x38;
	[tilespmem:$0x1CC00] =	vst v63  }
0x61: {  	_ =	swait.ge [sflag:s17], $0x4000  }
0x62: {  	[sflag:s17] =	ssyncset.done $0x0  }
0x63: {  	[sflag:s17] =	ssyncadd.s32 $0xFFFFC000  }
0x64: {  	[spmem:s13] =	stream.linear.scatter [tilespmem:s19], [sflag:$0x1], $0x3C00, $0x38;
	[tilespmem:$0x1CC00] =	vst v63  }
0x65: {  	_ =	swait.ge [sflag:s17], $0x3C00  }
0x66: {  	[sflag:s17] =	ssyncset.done $0x0  }
0x67: {  	[sflag:s17] =	ssyncadd.s32 $0xFFFFC400  }
0x68: {  	[tilespmem:s19], [sflag:$0x1] =	stream.linear.gather [hbm4b:s6+s30], $0x4000, $0x38;
	[tilespmem:$0x1CC00] =	vst v63  }
0x69: {  	_ =	swait.ge [sflag:s17], $0x4000  }
0x6a: {  	[sflag:s17] =	ssyncset.done $0x0  }
0x6b: {  	[sflag:s17] =	ssyncadd.s32 $0xFFFFC000  }
0x6c: {  	s31 =	simm.s32 $0x2800;
	[bflag:$0x0] =	sbarrier.arrive $0xFFFF  }
0x6d: {  	[spmem:s3] =	stream.indirect.scatter.add.f32 [tilespmem:s19], [sflag:$0x1], $0x80, s31, s20, $0xb8;
	[tilespmem:$0x1CC00] =	vst v63  }
0x6e: {  	s24 =	simm.s32 $0x200;
	_ =	swait.ge [sflag:s17], $0x4000  }
.LBB2_4:
0x6f: {  	s25 =	sshra.s32 s24, $0x2;
	[sflag:s17] =	ssyncset.done $0x0;
	p0 =	sne.s32 s24, $0x9E00  }
.Ltmp1:
0x70: {  	s25 =	sadd.s32 $0x2800, s25;
	[sflag:s17] =	ssyncadd.s32 $0xFFFFC000;
	(pc) =	sbr.rel @p0 .LBB2_4-.Ltmp1, $3  }
0x71: {  	[spmem:s3] =	stream.indirect.scatter.add.f32 [tilespmem:s19], [sflag:$0x1], $0x80, s25, s20, $0xb8;
	[tilespmem:$0x1CC00] =	vst v63  }
0x72: {  	s24 =	sadd.s32 $0x200, s24;
	_ =	sdelay $0x1  }
0x73: {  	_ =	swait.ge [sflag:s17], $0x4000  }
0x74: {  	[sflag:s17] =	ssyncset.done $0x0;
	s23 =	sadd.s32 $0x1, s23  }
0x75: {  	[sflag:s17] =	ssyncadd.s32 $0xFFFFC000;
	p0 =	sne.s32 s23, s16  }
.Ltmp2:
0x76: {  	[bflag:$0x0] =	sbarrier.arrive $0xFFFF;
	(pc) =	sbr.rel @p0 .LBB2_1-.Ltmp2, $4  }
0x77: {  	[hbm:s15], [sflag:s21] =	dma.local [spmem:s22], $0x2780  }
0x78: {  	_ =	swait.ge [sflag:s17], $0x2780  }
0x79: {  	[sflag:s17] =	ssyncset.done $0x0  }
0x7a: {  	[sflag:s17] =	ssyncadd.s32 $0xFFFFD880  }
0x7b: {  	_ =	sfence.sel $0x180000  }
0x7c: {  	[bflag:$0x0] =	sbarrier.arrive $0xFFFF  }
0x7d: {  	p0 =	sne.s32 s0, $0x0;
	_ =	strace $0x90000047  }
0x7e: {  	s0 =	sadd.s32 @!p0 $0x100000, s2;
	[bflag:$0x2] =	sbarrier.arrive $0xFFFF  }
0x7f: {  	[sflag:s0] =	ssyncadd.tile.s32 @!p0 $0x1;
	_ =	shalt  }
.Lfunc_end2:
_tile_overlayer_lowered:
.L_overlay_start_2:
0x80: {  	(tag) =	ssettag $0x2  }
0x81: {  	s0 =	rddreg [dreg:$0x0];
	s2 =	stileid.u32  }
0x82: {  	s1 =	rddreg [dreg:$0x1];
	p0 =	sne.s32 s2, $0x0  }
0x83: {  	s3 =	rddreg [dreg:$0x2];
	[bflag:$0x3] =	sbarrier.arrive $0xFFFF;
	s2 =	simm.s32 @!p0 $0x1C01  }
0x84: {  	[timem:s3], [sflag:s2] =	dma.local @!p0 [hbm:s0], s1  }
0x85: {  	s0 =	simm.s32 @!p0 $0x1  }
0x86: {  	_ =	swait.ge @!p0 [sflag:s0], s1  }
0x87: {  	s1 =	ssub.s32 @!p0 $0x0, s1;
	[sflag:s0] =	ssyncset.done @!p0 $0x0  }
0x88: {  	[sflag:s0] =	ssyncadd.s32 @!p0 s1  }
0x89: {  	[bflag:$0x3] =	sbarrier.arrive $0xFFFF  }
0x8a: {  	_ =	shalt  }

</sc_bundles>
